<compile_context>
chip_gen: v7x
topology: tpu7x:2x2x1
jax: 0.10.2.dev20260603
libtpu: 0.0.44.dev20260713+nightly
codegen_flags: <defaults>
</compile_context>

<pallas_src>
import functools

import jax
import jax.numpy as jnp
from jax import lax
from jax.experimental import pallas as pl
from jax.experimental.pallas import tpu as pltpu
from jax.experimental.pallas import tpu_sc as plsc

B, S, D = 16, 4096, 256
NW = 32
ROWS_PER_W = B * S // NW
CHUNK = 128
NCHUNK = ROWS_PER_W // CHUNK

_mesh = plsc.VectorSubcoreMesh(core_axis_name="c", subcore_axis_name="s")


@functools.partial(
    pl.kernel,
    mesh=_mesh,
    out_type=jax.ShapeDtypeStruct((B * S, D), jnp.float32),
    scratch_types=[
        pltpu.VMEM((NCHUNK, CHUNK), jnp.int32),
        pltpu.VMEM((CHUNK, D), jnp.float32),
        pltpu.VMEM((CHUNK, D), jnp.float32),
        pltpu.VMEM((CHUNK, D), jnp.float32),
        pltpu.SemaphoreType.DMA,
        pltpu.SemaphoreType.DMA,
        pltpu.SemaphoreType.DMA,
        pltpu.SemaphoreType.DMA,
        pltpu.SemaphoreType.DMA,
        pltpu.SemaphoreType.DMA,
    ],
)
def _zcurve_sc(x_hbm, idx_hbm, out_hbm, gidx_v,
               rows0_v, rows1_v, rows2_v,
               gsem0, gsem1, gsem2, ssem0, ssem1, ssem2):
    wid = lax.axis_index("s") * 2 + lax.axis_index("c")
    out_base = wid * ROWS_PER_W

    pltpu.sync_copy(idx_hbm.at[wid], gidx_v)

    NBUF = 3
    bufs = (rows0_v, rows1_v, rows2_v)
    gsems = (gsem0, gsem1, gsem2)
    ssems = (ssem0, ssem1, ssem2)
    g_copies = [None] * NBUF
    s_copies = [None] * NBUF
    for c in range(NCHUNK):
        p = c % NBUF
        if c >= NBUF:
            s_copies[p].wait()
        g_copies[p] = pltpu.async_copy(x_hbm.at[gidx_v.at[c]], bufs[p], gsems[p])
        if c >= 2:
            q = (c - 2) % NBUF
            g_copies[q].wait()
            s_copies[q] = pltpu.async_copy(
                bufs[q], out_hbm.at[pl.ds(out_base + (c - 2) * CHUNK, CHUNK)],
                ssems[q],
            )
    for c in range(max(0, NCHUNK - 2), NCHUNK):
        q = c % NBUF
        g_copies[q].wait()
        s_copies[q] = pltpu.async_copy(
            bufs[q], out_hbm.at[pl.ds(out_base + c * CHUNK, CHUNK)],
            ssems[q],
        )
    for c in range(max(0, NCHUNK - NBUF), NCHUNK):
        s_copies[c % NBUF].wait()


def kernel(x, forward_shuffle_idx):
    idx3 = forward_shuffle_idx.reshape(2, NCHUNK, CHUNK)
    gidx = idx3[None, :, :, :] + (jnp.arange(B, dtype=jnp.int32) * S)[
        :, None, None, None
    ]
    gidx = gidx.reshape(NW, NCHUNK, CHUNK)
    out = _zcurve_sc(x.reshape(B * S, D), gidx)
    return out.reshape(B, S, D)

# --- scband reference (transcript-rebuilt; emitter-appended) ---
"""Pipeline reference for scband-zcurve-65798898975109 (READ-ONLY COPY).

The authoritative reference and input builder live on the scoring server;
editing this copy changes nothing except your own understanding.
"""

import jax, jax.numpy as jnp
import numpy as np

H = 64
W = 64

def mortonify(i, j):
    i = int(i)
    j = int(j)
    z = 0
    for pos in range(32):
        z = z | ((j & (1 << pos)) << pos) | ((i & (1 << pos)) << (pos + 1))
    return z

def _build_forward_idx(h, w):
    reverseidx = np.array([mortonify(i, j) for i in range(h) for j in range(w)], dtype=np.int64)
    idx = np.argsort(reverseidx)
    return jnp.asarray(idx, dtype=jnp.int32)

def setup_inputs(seed: int = 0) -> dict:
    key = jax.random.key(seed)
    x = jax.random.normal(key, (16, H * W, 256), dtype=jnp.float32)
    forward_shuffle_idx = _build_forward_idx(H, W)
    return {"x": x, "forward_shuffle_idx": forward_shuffle_idx}

def reference(x, forward_shuffle_idx):
    # ZCurve.forward(x, reverse=False): x[:, forward_shuffle_idx]
    return jnp.take(x, forward_shuffle_idx, axis=1)

if __name__ == "__main__":
    import jax
    _d = setup_inputs()
    print(jax.jit(kernel)(*tuple(_d.values())))

</pallas_src>

<mosaic_0001>
#map = affine_map<(d0, d1) -> (0, 0)>
#map1 = affine_map<(d0, d1) -> (0, 0, 0)>
module attributes {stable_mosaic.version = 14 : i64} {
  func.func @_zcurve_sc(%arg0: i32, %arg1: i32, %arg2: memref<65536x256xf32, #tpu.memory_space<hbm>>, %arg3: memref<32x16x128xi32, #tpu.memory_space<hbm>>, %arg4: memref<65536x256xf32, #tpu.memory_space<hbm>>, %arg5: memref<16x128xi32, #tpu.memory_space<vmem>>, %arg6: memref<128x256xf32, #tpu.memory_space<vmem>>, %arg7: memref<128x256xf32, #tpu.memory_space<vmem>>, %arg8: memref<128x256xf32, #tpu.memory_space<vmem>>, %arg9: memref<!tpu.dma_semaphore, #tpu.memory_space<semaphore_mem>>, %arg10: memref<!tpu.dma_semaphore, #tpu.memory_space<semaphore_mem>>, %arg11: memref<!tpu.dma_semaphore, #tpu.memory_space<semaphore_mem>>, %arg12: memref<!tpu.dma_semaphore, #tpu.memory_space<semaphore_mem>>, %arg13: memref<!tpu.dma_semaphore, #tpu.memory_space<semaphore_mem>>, %arg14: memref<!tpu.dma_semaphore, #tpu.memory_space<semaphore_mem>>) attributes {dimension_semantics = [#tpu.dimension_semantics<core_parallel>, #tpu.dimension_semantics<subcore_parallel>], iteration_bounds = array<i64: 2, 16>, scalar_prefetch = 0 : i64, scratch_operands = 10 : i64, tpu.core_type = #tpu.core_type<sc_vector_subcore>, window_params = [{transform_indices = #map}, {transform_indices = #map1}, {transform_indices = #map}]} {
    %mul3A = arith.constant 2 : i32
    %mul3A_0 = arith.muli %arg1, %mul3A : i32
    %add3A = arith.addi %mul3A_0, %arg0 : i32
    %mul3A_1 = arith.constant 2048 : i32
    %mul3A_2 = arith.muli %add3A, %mul3A_1 : i32
    "tpu.region"() ({
      %run_scoped3A = tpu.sem_alloc : memref<!tpu.dma_semaphore, #tpu.memory_space<semaphore_mem>>
      %dma_start3A_385 = arith.constant 0 : i32
      %dma_start3A_386 = arith.constant 0 : i32
      %dma_start3A_387 = tpu.memref_slice %arg3[%add3A, %dma_start3A_385, %dma_start3A_386] : memref<32x16x128xi32, #tpu.memory_space<hbm>> -> memref<1x16x128xi32, #tpu.memory_space<hbm>>
      %dma_start3A_388 = tpu.memref_squeeze %dma_start3A_387 : memref<1x16x128xi32, #tpu.memory_space<hbm>> -> memref<16x128xi32, #tpu.memory_space<hbm>>
      %dma_start3A_389 = arith.constant 0 : i32
      %dma_start3A_390 = arith.constant 0 : i32
      %dma_start3A_391 = tpu.memref_slice %arg3[%add3A, %dma_start3A_389, %dma_start3A_390] : memref<32x16x128xi32, #tpu.memory_space<hbm>> -> memref<1x16x128xi32, #tpu.memory_space<hbm>>
      %dma_start3A_392 = tpu.memref_squeeze %dma_start3A_391 : memref<1x16x128xi32, #tpu.memory_space<hbm>> -> memref<16x128xi32, #tpu.memory_space<hbm>>
      tpu.enqueue_dma source(%dma_start3A_392 : memref<16x128xi32, #tpu.memory_space<hbm>>) target(%arg5 : memref<16x128xi32, #tpu.memory_space<vmem>>) target_semaphore(%run_scoped3A : memref<!tpu.dma_semaphore, #tpu.memory_space<semaphore_mem>>)
      %dma_wait3A_393 = arith.constant 0 : i32
      %dma_wait3A_394 = arith.constant 0 : i32
      %dma_wait3A_395 = tpu.memref_slice %arg3[%add3A, %dma_wait3A_393, %dma_wait3A_394] : memref<32x16x128xi32, #tpu.memory_space<hbm>> -> memref<1x16x128xi32, #tpu.memory_space<hbm>>
      %dma_wait3A_396 = tpu.memref_squeeze %dma_wait3A_395 : memref<1x16x128xi32, #tpu.memory_space<hbm>> -> memref<16x128xi32, #tpu.memory_space<hbm>>
      %dma_wait3A_397 = arith.constant 0 : i32
      %dma_wait3A_398 = arith.constant 0 : i32
      %dma_wait3A_399 = tpu.memref_slice %arg3[%add3A, %dma_wait3A_397, %dma_wait3A_398] : memref<32x16x128xi32, #tpu.memory_space<hbm>> -> memref<1x16x128xi32, #tpu.memory_space<hbm>>
      %dma_wait3A_400 = tpu.memref_squeeze %dma_wait3A_399 : memref<1x16x128xi32, #tpu.memory_space<hbm>> -> memref<16x128xi32, #tpu.memory_space<hbm>>
      tpu.wait_dma2 semaphore(%run_scoped3A : memref<!tpu.dma_semaphore, #tpu.memory_space<semaphore_mem>>) src(%dma_wait3A_400 : memref<16x128xi32, #tpu.memory_space<hbm>>) dst(%arg5 : memref<16x128xi32, #tpu.memory_space<vmem>>)
      tpu.yield
    }) : () -> ()
    %dma_start3A = arith.constant 0 : i32
    %dma_start3A_3 = arith.constant 0 : i32
    %dma_start3A_4 = tpu.memref_slice %arg5[%dma_start3A, %dma_start3A_3] : memref<16x128xi32, #tpu.memory_space<vmem>> -> memref<1x128xi32, #tpu.memory_space<vmem>>
    %dma_start3A_5 = tpu.memref_squeeze %dma_start3A_4 : memref<1x128xi32, #tpu.memory_space<vmem>> -> memref<128xi32, #tpu.memory_space<vmem>>
    %dma_start3A_6 = arith.constant 0 : i32
    %dma_start3A_7 = arith.constant 0 : i32
    %dma_start3A_8 = tpu.memref_slice %arg2[%dma_start3A_6, %dma_start3A_7] : memref<65536x256xf32, #tpu.memory_space<hbm>> -> memref<65536x256xf32, #tpu.memory_space<hbm>>
    tpu.enqueue_indirect_dma source(%dma_start3A_8 : memref<65536x256xf32, #tpu.memory_space<hbm>>) target(%arg6 : memref<128x256xf32, #tpu.memory_space<vmem>>) offsets(%dma_start3A_5 : memref<128xi32, #tpu.memory_space<vmem>>) semaphore(%arg9 : memref<!tpu.dma_semaphore, #tpu.memory_space<semaphore_mem>>)
    %dma_start3A_9 = arith.constant 1 : i32
    %dma_start3A_10 = arith.constant 0 : i32
    %dma_start3A_11 = tpu.memref_slice %arg5[%dma_start3A_9, %dma_start3A_10] : memref<16x128xi32, #tpu.memory_space<vmem>> -> memref<1x128xi32, #tpu.memory_space<vmem>>
    %dma_start3A_12 = tpu.memref_squeeze %dma_start3A_11 : memref<1x128xi32, #tpu.memory_space<vmem>> -> memref<128xi32, #tpu.memory_space<vmem>>
    %dma_start3A_13 = arith.constant 0 : i32
    %dma_start3A_14 = arith.constant 0 : i32
    %dma_start3A_15 = tpu.memref_slice %arg2[%dma_start3A_13, %dma_start3A_14] : memref<65536x256xf32, #tpu.memory_space<hbm>> -> memref<65536x256xf32, #tpu.memory_space<hbm>>
    tpu.enqueue_indirect_dma source(%dma_start3A_15 : memref<65536x256xf32, #tpu.memory_space<hbm>>) target(%arg7 : memref<128x256xf32, #tpu.memory_space<vmem>>) offsets(%dma_start3A_12 : memref<128xi32, #tpu.memory_space<vmem>>) semaphore(%arg10 : memref<!tpu.dma_semaphore, #tpu.memory_space<semaphore_mem>>)
    %dma_start3A_16 = arith.constant 2 : i32
    %dma_start3A_17 = arith.constant 0 : i32
    %dma_start3A_18 = tpu.memref_slice %arg5[%dma_start3A_16, %dma_start3A_17] : memref<16x128xi32, #tpu.memory_space<vmem>> -> memref<1x128xi32, #tpu.memory_space<vmem>>
    %dma_start3A_19 = tpu.memref_squeeze %dma_start3A_18 : memref<1x128xi32, #tpu.memory_space<vmem>> -> memref<128xi32, #tpu.memory_space<vmem>>
    %dma_start3A_20 = arith.constant 0 : i32
    %dma_start3A_21 = arith.constant 0 : i32
    %dma_start3A_22 = tpu.memref_slice %arg2[%dma_start3A_20, %dma_start3A_21] : memref<65536x256xf32, #tpu.memory_space<hbm>> -> memref<65536x256xf32, #tpu.memory_space<hbm>>
    tpu.enqueue_indirect_dma source(%dma_start3A_22 : memref<65536x256xf32, #tpu.memory_space<hbm>>) target(%arg8 : memref<128x256xf32, #tpu.memory_space<vmem>>) offsets(%dma_start3A_19 : memref<128xi32, #tpu.memory_space<vmem>>) semaphore(%arg11 : memref<!tpu.dma_semaphore, #tpu.memory_space<semaphore_mem>>)
    %dma_wait3A = arith.constant 0 : i32
    %dma_wait3A_23 = arith.constant 0 : i32
    %dma_wait3A_24 = tpu.memref_slice %arg5[%dma_wait3A, %dma_wait3A_23] : memref<16x128xi32, #tpu.memory_space<vmem>> -> memref<1x128xi32, #tpu.memory_space<vmem>>
    %dma_wait3A_25 = tpu.memref_squeeze %dma_wait3A_24 : memref<1x128xi32, #tpu.memory_space<vmem>> -> memref<128xi32, #tpu.memory_space<vmem>>
    %dma_wait3A_26 = arith.constant 0 : i32
    %dma_wait3A_27 = arith.constant 0 : i32
    %dma_wait3A_28 = tpu.memref_slice %arg2[%dma_wait3A_26, %dma_wait3A_27] : memref<65536x256xf32, #tpu.memory_space<hbm>> -> memref<65536x256xf32, #tpu.memory_space<hbm>>
    tpu.wait_indirect_dma semaphore(%arg9 : memref<!tpu.dma_semaphore, #tpu.memory_space<semaphore_mem>>) src(%dma_wait3A_28 : memref<65536x256xf32, #tpu.memory_space<hbm>>) dst(%arg6 : memref<128x256xf32, #tpu.memory_space<vmem>>)
    %add3A_29 = arith.constant 0 : i32
    %add3A_30 = arith.addi %mul3A_2, %add3A_29 : i32
    %dma_start3A_31 = arith.constant 0 : i32
    %dma_start3A_32 = tpu.memref_slice %arg4[%add3A_30, %dma_start3A_31] : memref<65536x256xf32, #tpu.memory_space<hbm>> -> memref<128x256xf32, #tpu.memory_space<hbm>>
    %dma_start3A_33 = arith.constant 0 : i32
    %dma_start3A_34 = tpu.memref_slice %arg4[%add3A_30, %dma_start3A_33] : memref<65536x256xf32, #tpu.memory_space<hbm>> -> memref<128x256xf32, #tpu.memory_space<hbm>>
    tpu.enqueue_dma source(%arg6 : memref<128x256xf32, #tpu.memory_space<vmem>>) target(%dma_start3A_34 : memref<128x256xf32, #tpu.memory_space<hbm>>) target_semaphore(%arg12 : memref<!tpu.dma_semaphore, #tpu.memory_space<semaphore_mem>>)
    %dma_wait3A_35 = arith.constant 0 : i32
    %dma_wait3A_36 = tpu.memref_slice %arg4[%add3A_30, %dma_wait3A_35] : memref<65536x256xf32, #tpu.memory_space<hbm>> -> memref<128x256xf32, #tpu.memory_space<hbm>>
    %dma_wait3A_37 = arith.constant 0 : i32
    %dma_wait3A_38 = tpu.memref_slice %arg4[%add3A_30, %dma_wait3A_37] : memref<65536x256xf32, #tpu.memory_space<hbm>> -> memref<128x256xf32, #tpu.memory_space<hbm>>
    tpu.wait_dma2 semaphore(%arg12 : memref<!tpu.dma_semaphore, #tpu.memory_space<semaphore_mem>>) src(%arg6 : memref<128x256xf32, #tpu.memory_space<vmem>>) dst(%dma_wait3A_38 : memref<128x256xf32, #tpu.memory_space<hbm>>)
    %dma_start3A_39 = arith.constant 3 : i32
    %dma_start3A_40 = arith.constant 0 : i32
    %dma_start3A_41 = tpu.memref_slice %arg5[%dma_start3A_39, %dma_start3A_40] : memref<16x128xi32, #tpu.memory_space<vmem>> -> memref<1x128xi32, #tpu.memory_space<vmem>>
    %dma_start3A_42 = tpu.memref_squeeze %dma_start3A_41 : memref<1x128xi32, #tpu.memory_space<vmem>> -> memref<128xi32, #tpu.memory_space<vmem>>
    %dma_start3A_43 = arith.constant 0 : i32
    %dma_start3A_44 = arith.constant 0 : i32
    %dma_start3A_45 = tpu.memref_slice %arg2[%dma_start3A_43, %dma_start3A_44] : memref<65536x256xf32, #tpu.memory_space<hbm>> -> memref<65536x256xf32, #tpu.memory_space<hbm>>
    tpu.enqueue_indirect_dma source(%dma_start3A_45 : memref<65536x256xf32, #tpu.memory_space<hbm>>) target(%arg6 : memref<128x256xf32, #tpu.memory_space<vmem>>) offsets(%dma_start3A_42 : memref<128xi32, #tpu.memory_space<vmem>>) semaphore(%arg9 : memref<!tpu.dma_semaphore, #tpu.memory_space<semaphore_mem>>)
    %dma_wait3A_46 = arith.constant 1 : i32
    %dma_wait3A_47 = arith.constant 0 : i32
    %dma_wait3A_48 = tpu.memref_slice %arg5[%dma_wait3A_46, %dma_wait3A_47] : memref<16x128xi32, #tpu.memory_space<vmem>> -> memref<1x128xi32, #tpu.memory_space<vmem>>
    %dma_wait3A_49 = tpu.memref_squeeze %dma_wait3A_48 : memref<1x128xi32, #tpu.memory_space<vmem>> -> memref<128xi32, #tpu.memory_space<vmem>>
    %dma_wait3A_50 = arith.constant 0 : i32
    %dma_wait3A_51 = arith.constant 0 : i32
    %dma_wait3A_52 = tpu.memref_slice %arg2[%dma_wait3A_50, %dma_wait3A_51] : memref<65536x256xf32, #tpu.memory_space<hbm>> -> memref<65536x256xf32, #tpu.memory_space<hbm>>
    tpu.wait_indirect_dma semaphore(%arg10 : memref<!tpu.dma_semaphore, #tpu.memory_space<semaphore_mem>>) src(%dma_wait3A_52 : memref<65536x256xf32, #tpu.memory_space<hbm>>) dst(%arg7 : memref<128x256xf32, #tpu.memory_space<vmem>>)
    %add3A_53 = arith.constant 128 : i32
    %add3A_54 = arith.addi %mul3A_2, %add3A_53 : i32
    %dma_start3A_55 = arith.constant 0 : i32
    %dma_start3A_56 = tpu.memref_slice %arg4[%add3A_54, %dma_start3A_55] : memref<65536x256xf32, #tpu.memory_space<hbm>> -> memref<128x256xf32, #tpu.memory_space<hbm>>
    %dma_start3A_57 = arith.constant 0 : i32
    %dma_start3A_58 = tpu.memref_slice %arg4[%add3A_54, %dma_start3A_57] : memref<65536x256xf32, #tpu.memory_space<hbm>> -> memref<128x256xf32, #tpu.memory_space<hbm>>
    tpu.enqueue_dma source(%arg7 : memref<128x256xf32, #tpu.memory_space<vmem>>) target(%dma_start3A_58 : memref<128x256xf32, #tpu.memory_space<hbm>>) target_semaphore(%arg13 : memref<!tpu.dma_semaphore, #tpu.memory_space<semaphore_mem>>)
    %dma_wait3A_59 = arith.constant 0 : i32
    %dma_wait3A_60 = tpu.memref_slice %arg4[%add3A_54, %dma_wait3A_59] : memref<65536x256xf32, #tpu.memory_space<hbm>> -> memref<128x256xf32, #tpu.memory_space<hbm>>
    %dma_wait3A_61 = arith.constant 0 : i32
    %dma_wait3A_62 = tpu.memref_slice %arg4[%add3A_54, %dma_wait3A_61] : memref<65536x256xf32, #tpu.memory_space<hbm>> -> memref<128x256xf32, #tpu.memory_space<hbm>>
    tpu.wait_dma2 semaphore(%arg13 : memref<!tpu.dma_semaphore, #tpu.memory_space<semaphore_mem>>) src(%arg7 : memref<128x256xf32, #tpu.memory_space<vmem>>) dst(%dma_wait3A_62 : memref<128x256xf32, #tpu.memory_space<hbm>>)
    %dma_start3A_63 = arith.constant 4 : i32
    %dma_start3A_64 = arith.constant 0 : i32
    %dma_start3A_65 = tpu.memref_slice %arg5[%dma_start3A_63, %dma_start3A_64] : memref<16x128xi32, #tpu.memory_space<vmem>> -> memref<1x128xi32, #tpu.memory_space<vmem>>
    %dma_start3A_66 = tpu.memref_squeeze %dma_start3A_65 : memref<1x128xi32, #tpu.memory_space<vmem>> -> memref<128xi32, #tpu.memory_space<vmem>>
    %dma_start3A_67 = arith.constant 0 : i32
    %dma_start3A_68 = arith.constant 0 : i32
    %dma_start3A_69 = tpu.memref_slice %arg2[%dma_start3A_67, %dma_start3A_68] : memref<65536x256xf32, #tpu.memory_space<hbm>> -> memref<65536x256xf32, #tpu.memory_space<hbm>>
    tpu.enqueue_indirect_dma source(%dma_start3A_69 : memref<65536x256xf32, #tpu.memory_space<hbm>>) target(%arg7 : memref<128x256xf32, #tpu.memory_space<vmem>>) offsets(%dma_start3A_66 : memref<128xi32, #tpu.memory_space<vmem>>) semaphore(%arg10 : memref<!tpu.dma_semaphore, #tpu.memory_space<semaphore_mem>>)
    %dma_wait3A_70 = arith.constant 2 : i32
    %dma_wait3A_71 = arith.constant 0 : i32
    %dma_wait3A_72 = tpu.memref_slice %arg5[%dma_wait3A_70, %dma_wait3A_71] : memref<16x128xi32, #tpu.memory_space<vmem>> -> memref<1x128xi32, #tpu.memory_space<vmem>>
    %dma_wait3A_73 = tpu.memref_squeeze %dma_wait3A_72 : memref<1x128xi32, #tpu.memory_space<vmem>> -> memref<128xi32, #tpu.memory_space<vmem>>
    %dma_wait3A_74 = arith.constant 0 : i32
    %dma_wait3A_75 = arith.constant 0 : i32
    %dma_wait3A_76 = tpu.memref_slice %arg2[%dma_wait3A_74, %dma_wait3A_75] : memref<65536x256xf32, #tpu.memory_space<hbm>> -> memref<65536x256xf32, #tpu.memory_space<hbm>>
    tpu.wait_indirect_dma semaphore(%arg11 : memref<!tpu.dma_semaphore, #tpu.memory_space<semaphore_mem>>) src(%dma_wait3A_76 : memref<65536x256xf32, #tpu.memory_space<hbm>>) dst(%arg8 : memref<128x256xf32, #tpu.memory_space<vmem>>)
    %add3A_77 = arith.constant 256 : i32
    %add3A_78 = arith.addi %mul3A_2, %add3A_77 : i32
    %dma_start3A_79 = arith.constant 0 : i32
    %dma_start3A_80 = tpu.memref_slice %arg4[%add3A_78, %dma_start3A_79] : memref<65536x256xf32, #tpu.memory_space<hbm>> -> memref<128x256xf32, #tpu.memory_space<hbm>>
    %dma_start3A_81 = arith.constant 0 : i32
    %dma_start3A_82 = tpu.memref_slice %arg4[%add3A_78, %dma_start3A_81] : memref<65536x256xf32, #tpu.memory_space<hbm>> -> memref<128x256xf32, #tpu.memory_space<hbm>>
    tpu.enqueue_dma source(%arg8 : memref<128x256xf32, #tpu.memory_space<vmem>>) target(%dma_start3A_82 : memref<128x256xf32, #tpu.memory_space<hbm>>) target_semaphore(%arg14 : memref<!tpu.dma_semaphore, #tpu.memory_space<semaphore_mem>>)
    %dma_wait3A_83 = arith.constant 0 : i32
    %dma_wait3A_84 = tpu.memref_slice %arg4[%add3A_78, %dma_wait3A_83] : memref<65536x256xf32, #tpu.memory_space<hbm>> -> memref<128x256xf32, #tpu.memory_space<hbm>>
    %dma_wait3A_85 = arith.constant 0 : i32
    %dma_wait3A_86 = tpu.memref_slice %arg4[%add3A_78, %dma_wait3A_85] : memref<65536x256xf32, #tpu.memory_space<hbm>> -> memref<128x256xf32, #tpu.memory_space<hbm>>
    tpu.wait_dma2 semaphore(%arg14 : memref<!tpu.dma_semaphore, #tpu.memory_space<semaphore_mem>>) src(%arg8 : memref<128x256xf32, #tpu.memory_space<vmem>>) dst(%dma_wait3A_86 : memref<128x256xf32, #tpu.memory_space<hbm>>)
    %dma_start3A_87 = arith.constant 5 : i32
    %dma_start3A_88 = arith.constant 0 : i32
    %dma_start3A_89 = tpu.memref_slice %arg5[%dma_start3A_87, %dma_start3A_88] : memref<16x128xi32, #tpu.memory_space<vmem>> -> memref<1x128xi32, #tpu.memory_space<vmem>>
    %dma_start3A_90 = tpu.memref_squeeze %dma_start3A_89 : memref<1x128xi32, #tpu.memory_space<vmem>> -> memref<128xi32, #tpu.memory_space<vmem>>
    %dma_start3A_91 = arith.constant 0 : i32
    %dma_start3A_92 = arith.constant 0 : i32
    %dma_start3A_93 = tpu.memref_slice %arg2[%dma_start3A_91, %dma_start3A_92] : memref<65536x256xf32, #tpu.memory_space<hbm>> -> memref<65536x256xf32, #tpu.memory_space<hbm>>
    tpu.enqueue_indirect_dma source(%dma_start3A_93 : memref<65536x256xf32, #tpu.memory_space<hbm>>) target(%arg8 : memref<128x256xf32, #tpu.memory_space<vmem>>) offsets(%dma_start3A_90 : memref<128xi32, #tpu.memory_space<vmem>>) semaphore(%arg11 : memref<!tpu.dma_semaphore, #tpu.memory_space<semaphore_mem>>)
    %dma_wait3A_94 = arith.constant 3 : i32
    %dma_wait3A_95 = arith.constant 0 : i32
    %dma_wait3A_96 = tpu.memref_slice %arg5[%dma_wait3A_94, %dma_wait3A_95] : memref<16x128xi32, #tpu.memory_space<vmem>> -> memref<1x128xi32, #tpu.memory_space<vmem>>
    %dma_wait3A_97 = tpu.memref_squeeze %dma_wait3A_96 : memref<1x128xi32, #tpu.memory_space<vmem>> -> memref<128xi32, #tpu.memory_space<vmem>>
    %dma_wait3A_98 = arith.constant 0 : i32
    %dma_wait3A_99 = arith.constant 0 : i32
    %dma_wait3A_100 = tpu.memref_slice %arg2[%dma_wait3A_98, %dma_wait3A_99] : memref<65536x256xf32, #tpu.memory_space<hbm>> -> memref<65536x256xf32, #tpu.memory_space<hbm>>
    tpu.wait_indirect_dma semaphore(%arg9 : memref<!tpu.dma_semaphore, #tpu.memory_space<semaphore_mem>>) src(%dma_wait3A_100 : memref<65536x256xf32, #tpu.memory_space<hbm>>) dst(%arg6 : memref<128x256xf32, #tpu.memory_space<vmem>>)
    %add3A_101 = arith.constant 384 : i32
    %add3A_102 = arith.addi %mul3A_2, %add3A_101 : i32
    %dma_start3A_103 = arith.constant 0 : i32
    %dma_start3A_104 = tpu.memref_slice %arg4[%add3A_102, %dma_start3A_103] : memref<65536x256xf32, #tpu.memory_space<hbm>> -> memref<128x256xf32, #tpu.memory_space<hbm>>
    %dma_start3A_105 = arith.constant 0 : i32
    %dma_start3A_106 = tpu.memref_slice %arg4[%add3A_102, %dma_start3A_105] : memref<65536x256xf32, #tpu.memory_space<hbm>> -> memref<128x256xf32, #tpu.memory_space<hbm>>
    tpu.enqueue_dma source(%arg6 : memref<128x256xf32, #tpu.memory_space<vmem>>) target(%dma_start3A_106 : memref<128x256xf32, #tpu.memory_space<hbm>>) target_semaphore(%arg12 : memref<!tpu.dma_semaphore, #tpu.memory_space<semaphore_mem>>)
    %dma_wait3A_107 = arith.constant 0 : i32
    %dma_wait3A_108 = tpu.memref_slice %arg4[%add3A_102, %dma_wait3A_107] : memref<65536x256xf32, #tpu.memory_space<hbm>> -> memref<128x256xf32, #tpu.memory_space<hbm>>
    %dma_wait3A_109 = arith.constant 0 : i32
    %dma_wait3A_110 = tpu.memref_slice %arg4[%add3A_102, %dma_wait3A_109] : memref<65536x256xf32, #tpu.memory_space<hbm>> -> memref<128x256xf32, #tpu.memory_space<hbm>>
    tpu.wait_dma2 semaphore(%arg12 : memref<!tpu.dma_semaphore, #tpu.memory_space<semaphore_mem>>) src(%arg6 : memref<128x256xf32, #tpu.memory_space<vmem>>) dst(%dma_wait3A_110 : memref<128x256xf32, #tpu.memory_space<hbm>>)
    %dma_start3A_111 = arith.constant 6 : i32
    %dma_start3A_112 = arith.constant 0 : i32
    %dma_start3A_113 = tpu.memref_slice %arg5[%dma_start3A_111, %dma_start3A_112] : memref<16x128xi32, #tpu.memory_space<vmem>> -> memref<1x128xi32, #tpu.memory_space<vmem>>
    %dma_start3A_114 = tpu.memref_squeeze %dma_start3A_113 : memref<1x128xi32, #tpu.memory_space<vmem>> -> memref<128xi32, #tpu.memory_space<vmem>>
    %dma_start3A_115 = arith.constant 0 : i32
    %dma_start3A_116 = arith.constant 0 : i32
    %dma_start3A_117 = tpu.memref_slice %arg2[%dma_start3A_115, %dma_start3A_116] : memref<65536x256xf32, #tpu.memory_space<hbm>> -> memref<65536x256xf32, #tpu.memory_space<hbm>>
    tpu.enqueue_indirect_dma source(%dma_start3A_117 : memref<65536x256xf32, #tpu.memory_space<hbm>>) target(%arg6 : memref<128x256xf32, #tpu.memory_space<vmem>>) offsets(%dma_start3A_114 : memref<128xi32, #tpu.memory_space<vmem>>) semaphore(%arg9 : memref<!tpu.dma_semaphore, #tpu.memory_space<semaphore_mem>>)
    %dma_wait3A_118 = arith.constant 4 : i32
    %dma_wait3A_119 = arith.constant 0 : i32
    %dma_wait3A_120 = tpu.memref_slice %arg5[%dma_wait3A_118, %dma_wait3A_119] : memref<16x128xi32, #tpu.memory_space<vmem>> -> memref<1x128xi32, #tpu.memory_space<vmem>>
    %dma_wait3A_121 = tpu.memref_squeeze %dma_wait3A_120 : memref<1x128xi32, #tpu.memory_space<vmem>> -> memref<128xi32, #tpu.memory_space<vmem>>
    %dma_wait3A_122 = arith.constant 0 : i32
    %dma_wait3A_123 = arith.constant 0 : i32
    %dma_wait3A_124 = tpu.memref_slice %arg2[%dma_wait3A_122, %dma_wait3A_123] : memref<65536x256xf32, #tpu.memory_space<hbm>> -> memref<65536x256xf32, #tpu.memory_space<hbm>>
    tpu.wait_indirect_dma semaphore(%arg10 : memref<!tpu.dma_semaphore, #tpu.memory_space<semaphore_mem>>) src(%dma_wait3A_124 : memref<65536x256xf32, #tpu.memory_space<hbm>>) dst(%arg7 : memref<128x256xf32, #tpu.memory_space<vmem>>)
    %add3A_125 = arith.constant 512 : i32
    %add3A_126 = arith.addi %mul3A_2, %add3A_125 : i32
    %dma_start3A_127 = arith.constant 0 : i32
    %dma_start3A_128 = tpu.memref_slice %arg4[%add3A_126, %dma_start3A_127] : memref<65536x256xf32, #tpu.memory_space<hbm>> -> memref<128x256xf32, #tpu.memory_space<hbm>>
    %dma_start3A_129 = arith.constant 0 : i32
    %dma_start3A_130 = tpu.memref_slice %arg4[%add3A_126, %dma_start3A_129] : memref<65536x256xf32, #tpu.memory_space<hbm>> -> memref<128x256xf32, #tpu.memory_space<hbm>>
    tpu.enqueue_dma source(%arg7 : memref<128x256xf32, #tpu.memory_space<vmem>>) target(%dma_start3A_130 : memref<128x256xf32, #tpu.memory_space<hbm>>) target_semaphore(%arg13 : memref<!tpu.dma_semaphore, #tpu.memory_space<semaphore_mem>>)
    %dma_wait3A_131 = arith.constant 0 : i32
    %dma_wait3A_132 = tpu.memref_slice %arg4[%add3A_126, %dma_wait3A_131] : memref<65536x256xf32, #tpu.memory_space<hbm>> -> memref<128x256xf32, #tpu.memory_space<hbm>>
    %dma_wait3A_133 = arith.constant 0 : i32
    %dma_wait3A_134 = tpu.memref_slice %arg4[%add3A_126, %dma_wait3A_133] : memref<65536x256xf32, #tpu.memory_space<hbm>> -> memref<128x256xf32, #tpu.memory_space<hbm>>
    tpu.wait_dma2 semaphore(%arg13 : memref<!tpu.dma_semaphore, #tpu.memory_space<semaphore_mem>>) src(%arg7 : memref<128x256xf32, #tpu.memory_space<vmem>>) dst(%dma_wait3A_134 : memref<128x256xf32, #tpu.memory_space<hbm>>)
    %dma_start3A_135 = arith.constant 7 : i32
    %dma_start3A_136 = arith.constant 0 : i32
    %dma_start3A_137 = tpu.memref_slice %arg5[%dma_start3A_135, %dma_start3A_136] : memref<16x128xi32, #tpu.memory_space<vmem>> -> memref<1x128xi32, #tpu.memory_space<vmem>>
    %dma_start3A_138 = tpu.memref_squeeze %dma_start3A_137 : memref<1x128xi32, #tpu.memory_space<vmem>> -> memref<128xi32, #tpu.memory_space<vmem>>
    %dma_start3A_139 = arith.constant 0 : i32
    %dma_start3A_140 = arith.constant 0 : i32
    %dma_start3A_141 = tpu.memref_slice %arg2[%dma_start3A_139, %dma_start3A_140] : memref<65536x256xf32, #tpu.memory_space<hbm>> -> memref<65536x256xf32, #tpu.memory_space<hbm>>
    tpu.enqueue_indirect_dma source(%dma_start3A_141 : memref<65536x256xf32, #tpu.memory_space<hbm>>) target(%arg7 : memref<128x256xf32, #tpu.memory_space<vmem>>) offsets(%dma_start3A_138 : memref<128xi32, #tpu.memory_space<vmem>>) semaphore(%arg10 : memref<!tpu.dma_semaphore, #tpu.memory_space<semaphore_mem>>)
    %dma_wait3A_142 = arith.constant 5 : i32
    %dma_wait3A_143 = arith.constant 0 : i32
    %dma_wait3A_144 = tpu.memref_slice %arg5[%dma_wait3A_142, %dma_wait3A_143] : memref<16x128xi32, #tpu.memory_space<vmem>> -> memref<1x128xi32, #tpu.memory_space<vmem>>
    %dma_wait3A_145 = tpu.memref_squeeze %dma_wait3A_144 : memref<1x128xi32, #tpu.memory_space<vmem>> -> memref<128xi32, #tpu.memory_space<vmem>>
    %dma_wait3A_146 = arith.constant 0 : i32
    %dma_wait3A_147 = arith.constant 0 : i32
    %dma_wait3A_148 = tpu.memref_slice %arg2[%dma_wait3A_146, %dma_wait3A_147] : memref<65536x256xf32, #tpu.memory_space<hbm>> -> memref<65536x256xf32, #tpu.memory_space<hbm>>
    tpu.wait_indirect_dma semaphore(%arg11 : memref<!tpu.dma_semaphore, #tpu.memory_space<semaphore_mem>>) src(%dma_wait3A_148 : memref<65536x256xf32, #tpu.memory_space<hbm>>) dst(%arg8 : memref<128x256xf32, #tpu.memory_space<vmem>>)
    %add3A_149 = arith.constant 640 : i32
    %add3A_150 = arith.addi %mul3A_2, %add3A_149 : i32
    %dma_start3A_151 = arith.constant 0 : i32
    %dma_start3A_152 = tpu.memref_slice %arg4[%add3A_150, %dma_start3A_151] : memref<65536x256xf32, #tpu.memory_space<hbm>> -> memref<128x256xf32, #tpu.memory_space<hbm>>
    %dma_start3A_153 = arith.constant 0 : i32
    %dma_start3A_154 = tpu.memref_slice %arg4[%add3A_150, %dma_start3A_153] : memref<65536x256xf32, #tpu.memory_space<hbm>> -> memref<128x256xf32, #tpu.memory_space<hbm>>
    tpu.enqueue_dma source(%arg8 : memref<128x256xf32, #tpu.memory_space<vmem>>) target(%dma_start3A_154 : memref<128x256xf32, #tpu.memory_space<hbm>>) target_semaphore(%arg14 : memref<!tpu.dma_semaphore, #tpu.memory_space<semaphore_mem>>)
    %dma_wait3A_155 = arith.constant 0 : i32
    %dma_wait3A_156 = tpu.memref_slice %arg4[%add3A_150, %dma_wait3A_155] : memref<65536x256xf32, #tpu.memory_space<hbm>> -> memref<128x256xf32, #tpu.memory_space<hbm>>
    %dma_wait3A_157 = arith.constant 0 : i32
    %dma_wait3A_158 = tpu.memref_slice %arg4[%add3A_150, %dma_wait3A_157] : memref<65536x256xf32, #tpu.memory_space<hbm>> -> memref<128x256xf32, #tpu.memory_space<hbm>>
    tpu.wait_dma2 semaphore(%arg14 : memref<!tpu.dma_semaphore, #tpu.memory_space<semaphore_mem>>) src(%arg8 : memref<128x256xf32, #tpu.memory_space<vmem>>) dst(%dma_wait3A_158 : memref<128x256xf32, #tpu.memory_space<hbm>>)
    %dma_start3A_159 = arith.constant 8 : i32
    %dma_start3A_160 = arith.constant 0 : i32
    %dma_start3A_161 = tpu.memref_slice %arg5[%dma_start3A_159, %dma_start3A_160] : memref<16x128xi32, #tpu.memory_space<vmem>> -> memref<1x128xi32, #tpu.memory_space<vmem>>
    %dma_start3A_162 = tpu.memref_squeeze %dma_start3A_161 : memref<1x128xi32, #tpu.memory_space<vmem>> -> memref<128xi32, #tpu.memory_space<vmem>>
    %dma_start3A_163 = arith.constant 0 : i32
    %dma_start3A_164 = arith.constant 0 : i32
    %dma_start3A_165 = tpu.memref_slice %arg2[%dma_start3A_163, %dma_start3A_164] : memref<65536x256xf32, #tpu.memory_space<hbm>> -> memref<65536x256xf32, #tpu.memory_space<hbm>>
    tpu.enqueue_indirect_dma source(%dma_start3A_165 : memref<65536x256xf32, #tpu.memory_space<hbm>>) target(%arg8 : memref<128x256xf32, #tpu.memory_space<vmem>>) offsets(%dma_start3A_162 : memref<128xi32, #tpu.memory_space<vmem>>) semaphore(%arg11 : memref<!tpu.dma_semaphore, #tpu.memory_space<semaphore_mem>>)
    %dma_wait3A_166 = arith.constant 6 : i32
    %dma_wait3A_167 = arith.constant 0 : i32
    %dma_wait3A_168 = tpu.memref_slice %arg5[%dma_wait3A_166, %dma_wait3A_167] : memref<16x128xi32, #tpu.memory_space<vmem>> -> memref<1x128xi32, #tpu.memory_space<vmem>>
    %dma_wait3A_169 = tpu.memref_squeeze %dma_wait3A_168 : memref<1x128xi32, #tpu.memory_space<vmem>> -> memref<128xi32, #tpu.memory_space<vmem>>
    %dma_wait3A_170 = arith.constant 0 : i32
    %dma_wait3A_171 = arith.constant 0 : i32
    %dma_wait3A_172 = tpu.memref_slice %arg2[%dma_wait3A_170, %dma_wait3A_171] : memref<65536x256xf32, #tpu.memory_space<hbm>> -> memref<65536x256xf32, #tpu.memory_space<hbm>>
    tpu.wait_indirect_dma semaphore(%arg9 : memref<!tpu.dma_semaphore, #tpu.memory_space<semaphore_mem>>) src(%dma_wait3A_172 : memref<65536x256xf32, #tpu.memory_space<hbm>>) dst(%arg6 : memref<128x256xf32, #tpu.memory_space<vmem>>)
    %add3A_173 = arith.constant 768 : i32
    %add3A_174 = arith.addi %mul3A_2, %add3A_173 : i32
    %dma_start3A_175 = arith.constant 0 : i32
    %dma_start3A_176 = tpu.memref_slice %arg4[%add3A_174, %dma_start3A_175] : memref<65536x256xf32, #tpu.memory_space<hbm>> -> memref<128x256xf32, #tpu.memory_space<hbm>>
    %dma_start3A_177 = arith.constant 0 : i32
    %dma_start3A_178 = tpu.memref_slice %arg4[%add3A_174, %dma_start3A_177] : memref<65536x256xf32, #tpu.memory_space<hbm>> -> memref<128x256xf32, #tpu.memory_space<hbm>>
    tpu.enqueue_dma source(%arg6 : memref<128x256xf32, #tpu.memory_space<vmem>>) target(%dma_start3A_178 : memref<128x256xf32, #tpu.memory_space<hbm>>) target_semaphore(%arg12 : memref<!tpu.dma_semaphore, #tpu.memory_space<semaphore_mem>>)
    %dma_wait3A_179 = arith.constant 0 : i32
    %dma_wait3A_180 = tpu.memref_slice %arg4[%add3A_174, %dma_wait3A_179] : memref<65536x256xf32, #tpu.memory_space<hbm>> -> memref<128x256xf32, #tpu.memory_space<hbm>>
    %dma_wait3A_181 = arith.constant 0 : i32
    %dma_wait3A_182 = tpu.memref_slice %arg4[%add3A_174, %dma_wait3A_181] : memref<65536x256xf32, #tpu.memory_space<hbm>> -> memref<128x256xf32, #tpu.memory_space<hbm>>
    tpu.wait_dma2 semaphore(%arg12 : memref<!tpu.dma_semaphore, #tpu.memory_space<semaphore_mem>>) src(%arg6 : memref<128x256xf32, #tpu.memory_space<vmem>>) dst(%dma_wait3A_182 : memref<128x256xf32, #tpu.memory_space<hbm>>)
    %dma_start3A_183 = arith.constant 9 : i32
    %dma_start3A_184 = arith.constant 0 : i32
    %dma_start3A_185 = tpu.memref_slice %arg5[%dma_start3A_183, %dma_start3A_184] : memref<16x128xi32, #tpu.memory_space<vmem>> -> memref<1x128xi32, #tpu.memory_space<vmem>>
    %dma_start3A_186 = tpu.memref_squeeze %dma_start3A_185 : memref<1x128xi32, #tpu.memory_space<vmem>> -> memref<128xi32, #tpu.memory_space<vmem>>
    %dma_start3A_187 = arith.constant 0 : i32
    %dma_start3A_188 = arith.constant 0 : i32
    %dma_start3A_189 = tpu.memref_slice %arg2[%dma_start3A_187, %dma_start3A_188] : memref<65536x256xf32, #tpu.memory_space<hbm>> -> memref<65536x256xf32, #tpu.memory_space<hbm>>
    tpu.enqueue_indirect_dma source(%dma_start3A_189 : memref<65536x256xf32, #tpu.memory_space<hbm>>) target(%arg6 : memref<128x256xf32, #tpu.memory_space<vmem>>) offsets(%dma_start3A_186 : memref<128xi32, #tpu.memory_space<vmem>>) semaphore(%arg9 : memref<!tpu.dma_semaphore, #tpu.memory_space<semaphore_mem>>)
    %dma_wait3A_190 = arith.constant 7 : i32
    %dma_wait3A_191 = arith.constant 0 : i32
    %dma_wait3A_192 = tpu.memref_slice %arg5[%dma_wait3A_190, %dma_wait3A_191] : memref<16x128xi32, #tpu.memory_space<vmem>> -> memref<1x128xi32, #tpu.memory_space<vmem>>
    %dma_wait3A_193 = tpu.memref_squeeze %dma_wait3A_192 : memref<1x128xi32, #tpu.memory_space<vmem>> -> memref<128xi32, #tpu.memory_space<vmem>>
    %dma_wait3A_194 = arith.constant 0 : i32
    %dma_wait3A_195 = arith.constant 0 : i32
    %dma_wait3A_196 = tpu.memref_slice %arg2[%dma_wait3A_194, %dma_wait3A_195] : memref<65536x256xf32, #tpu.memory_space<hbm>> -> memref<65536x256xf32, #tpu.memory_space<hbm>>
    tpu.wait_indirect_dma semaphore(%arg10 : memref<!tpu.dma_semaphore, #tpu.memory_space<semaphore_mem>>) src(%dma_wait3A_196 : memref<65536x256xf32, #tpu.memory_space<hbm>>) dst(%arg7 : memref<128x256xf32, #tpu.memory_space<vmem>>)
    %add3A_197 = arith.constant 896 : i32
    %add3A_198 = arith.addi %mul3A_2, %add3A_197 : i32
    %dma_start3A_199 = arith.constant 0 : i32
    %dma_start3A_200 = tpu.memref_slice %arg4[%add3A_198, %dma_start3A_199] : memref<65536x256xf32, #tpu.memory_space<hbm>> -> memref<128x256xf32, #tpu.memory_space<hbm>>
    %dma_start3A_201 = arith.constant 0 : i32
    %dma_start3A_202 = tpu.memref_slice %arg4[%add3A_198, %dma_start3A_201] : memref<65536x256xf32, #tpu.memory_space<hbm>> -> memref<128x256xf32, #tpu.memory_space<hbm>>
    tpu.enqueue_dma source(%arg7 : memref<128x256xf32, #tpu.memory_space<vmem>>) target(%dma_start3A_202 : memref<128x256xf32, #tpu.memory_space<hbm>>) target_semaphore(%arg13 : memref<!tpu.dma_semaphore, #tpu.memory_space<semaphore_mem>>)
    %dma_wait3A_203 = arith.constant 0 : i32
    %dma_wait3A_204 = tpu.memref_slice %arg4[%add3A_198, %dma_wait3A_203] : memref<65536x256xf32, #tpu.memory_space<hbm>> -> memref<128x256xf32, #tpu.memory_space<hbm>>
    %dma_wait3A_205 = arith.constant 0 : i32
    %dma_wait3A_206 = tpu.memref_slice %arg4[%add3A_198, %dma_wait3A_205] : memref<65536x256xf32, #tpu.memory_space<hbm>> -> memref<128x256xf32, #tpu.memory_space<hbm>>
    tpu.wait_dma2 semaphore(%arg13 : memref<!tpu.dma_semaphore, #tpu.memory_space<semaphore_mem>>) src(%arg7 : memref<128x256xf32, #tpu.memory_space<vmem>>) dst(%dma_wait3A_206 : memref<128x256xf32, #tpu.memory_space<hbm>>)
    %dma_start3A_207 = arith.constant 10 : i32
    %dma_start3A_208 = arith.constant 0 : i32
    %dma_start3A_209 = tpu.memref_slice %arg5[%dma_start3A_207, %dma_start3A_208] : memref<16x128xi32, #tpu.memory_space<vmem>> -> memref<1x128xi32, #tpu.memory_space<vmem>>
    %dma_start3A_210 = tpu.memref_squeeze %dma_start3A_209 : memref<1x128xi32, #tpu.memory_space<vmem>> -> memref<128xi32, #tpu.memory_space<vmem>>
    %dma_start3A_211 = arith.constant 0 : i32
    %dma_start3A_212 = arith.constant 0 : i32
    %dma_start3A_213 = tpu.memref_slice %arg2[%dma_start3A_211, %dma_start3A_212] : memref<65536x256xf32, #tpu.memory_space<hbm>> -> memref<65536x256xf32, #tpu.memory_space<hbm>>
    tpu.enqueue_indirect_dma source(%dma_start3A_213 : memref<65536x256xf32, #tpu.memory_space<hbm>>) target(%arg7 : memref<128x256xf32, #tpu.memory_space<vmem>>) offsets(%dma_start3A_210 : memref<128xi32, #tpu.memory_space<vmem>>) semaphore(%arg10 : memref<!tpu.dma_semaphore, #tpu.memory_space<semaphore_mem>>)
    %dma_wait3A_214 = arith.constant 8 : i32
    %dma_wait3A_215 = arith.constant 0 : i32
    %dma_wait3A_216 = tpu.memref_slice %arg5[%dma_wait3A_214, %dma_wait3A_215] : memref<16x128xi32, #tpu.memory_space<vmem>> -> memref<1x128xi32, #tpu.memory_space<vmem>>
    %dma_wait3A_217 = tpu.memref_squeeze %dma_wait3A_216 : memref<1x128xi32, #tpu.memory_space<vmem>> -> memref<128xi32, #tpu.memory_space<vmem>>
    %dma_wait3A_218 = arith.constant 0 : i32
    %dma_wait3A_219 = arith.constant 0 : i32
    %dma_wait3A_220 = tpu.memref_slice %arg2[%dma_wait3A_218, %dma_wait3A_219] : memref<65536x256xf32, #tpu.memory_space<hbm>> -> memref<65536x256xf32, #tpu.memory_space<hbm>>
    tpu.wait_indirect_dma semaphore(%arg11 : memref<!tpu.dma_semaphore, #tpu.memory_space<semaphore_mem>>) src(%dma_wait3A_220 : memref<65536x256xf32, #tpu.memory_space<hbm>>) dst(%arg8 : memref<128x256xf32, #tpu.memory_space<vmem>>)
    %add3A_221 = arith.constant 1024 : i32
    %add3A_222 = arith.addi %mul3A_2, %add3A_221 : i32
    %dma_start3A_223 = arith.constant 0 : i32
    %dma_start3A_224 = tpu.memref_slice %arg4[%add3A_222, %dma_start3A_223] : memref<65536x256xf32, #tpu.memory_space<hbm>> -> memref<128x256xf32, #tpu.memory_space<hbm>>
    %dma_start3A_225 = arith.constant 0 : i32
    %dma_start3A_226 = tpu.memref_slice %arg4[%add3A_222, %dma_start3A_225] : memref<65536x256xf32, #tpu.memory_space<hbm>> -> memref<128x256xf32, #tpu.memory_space<hbm>>
    tpu.enqueue_dma source(%arg8 : memref<128x256xf32, #tpu.memory_space<vmem>>) target(%dma_start3A_226 : memref<128x256xf32, #tpu.memory_space<hbm>>) target_semaphore(%arg14 : memref<!tpu.dma_semaphore, #tpu.memory_space<semaphore_mem>>)
    %dma_wait3A_227 = arith.constant 0 : i32
    %dma_wait3A_228 = tpu.memref_slice %arg4[%add3A_222, %dma_wait3A_227] : memref<65536x256xf32, #tpu.memory_space<hbm>> -> memref<128x256xf32, #tpu.memory_space<hbm>>
    %dma_wait3A_229 = arith.constant 0 : i32
    %dma_wait3A_230 = tpu.memref_slice %arg4[%add3A_222, %dma_wait3A_229] : memref<65536x256xf32, #tpu.memory_space<hbm>> -> memref<128x256xf32, #tpu.memory_space<hbm>>
    tpu.wait_dma2 semaphore(%arg14 : memref<!tpu.dma_semaphore, #tpu.memory_space<semaphore_mem>>) src(%arg8 : memref<128x256xf32, #tpu.memory_space<vmem>>) dst(%dma_wait3A_230 : memref<128x256xf32, #tpu.memory_space<hbm>>)
    %dma_start3A_231 = arith.constant 11 : i32
    %dma_start3A_232 = arith.constant 0 : i32
    %dma_start3A_233 = tpu.memref_slice %arg5[%dma_start3A_231, %dma_start3A_232] : memref<16x128xi32, #tpu.memory_space<vmem>> -> memref<1x128xi32, #tpu.memory_space<vmem>>
    %dma_start3A_234 = tpu.memref_squeeze %dma_start3A_233 : memref<1x128xi32, #tpu.memory_space<vmem>> -> memref<128xi32, #tpu.memory_space<vmem>>
    %dma_start3A_235 = arith.constant 0 : i32
    %dma_start3A_236 = arith.constant 0 : i32
    %dma_start3A_237 = tpu.memref_slice %arg2[%dma_start3A_235, %dma_start3A_236] : memref<65536x256xf32, #tpu.memory_space<hbm>> -> memref<65536x256xf32, #tpu.memory_space<hbm>>
    tpu.enqueue_indirect_dma source(%dma_start3A_237 : memref<65536x256xf32, #tpu.memory_space<hbm>>) target(%arg8 : memref<128x256xf32, #tpu.memory_space<vmem>>) offsets(%dma_start3A_234 : memref<128xi32, #tpu.memory_space<vmem>>) semaphore(%arg11 : memref<!tpu.dma_semaphore, #tpu.memory_space<semaphore_mem>>)
    %dma_wait3A_238 = arith.constant 9 : i32
    %dma_wait3A_239 = arith.constant 0 : i32
    %dma_wait3A_240 = tpu.memref_slice %arg5[%dma_wait3A_238, %dma_wait3A_239] : memref<16x128xi32, #tpu.memory_space<vmem>> -> memref<1x128xi32, #tpu.memory_space<vmem>>
    %dma_wait3A_241 = tpu.memref_squeeze %dma_wait3A_240 : memref<1x128xi32, #tpu.memory_space<vmem>> -> memref<128xi32, #tpu.memory_space<vmem>>
    %dma_wait3A_242 = arith.constant 0 : i32
    %dma_wait3A_243 = arith.constant 0 : i32
    %dma_wait3A_244 = tpu.memref_slice %arg2[%dma_wait3A_242, %dma_wait3A_243] : memref<65536x256xf32, #tpu.memory_space<hbm>> -> memref<65536x256xf32, #tpu.memory_space<hbm>>
    tpu.wait_indirect_dma semaphore(%arg9 : memref<!tpu.dma_semaphore, #tpu.memory_space<semaphore_mem>>) src(%dma_wait3A_244 : memref<65536x256xf32, #tpu.memory_space<hbm>>) dst(%arg6 : memref<128x256xf32, #tpu.memory_space<vmem>>)
    %add3A_245 = arith.constant 1152 : i32
    %add3A_246 = arith.addi %mul3A_2, %add3A_245 : i32
    %dma_start3A_247 = arith.constant 0 : i32
    %dma_start3A_248 = tpu.memref_slice %arg4[%add3A_246, %dma_start3A_247] : memref<65536x256xf32, #tpu.memory_space<hbm>> -> memref<128x256xf32, #tpu.memory_space<hbm>>
    %dma_start3A_249 = arith.constant 0 : i32
    %dma_start3A_250 = tpu.memref_slice %arg4[%add3A_246, %dma_start3A_249] : memref<65536x256xf32, #tpu.memory_space<hbm>> -> memref<128x256xf32, #tpu.memory_space<hbm>>
    tpu.enqueue_dma source(%arg6 : memref<128x256xf32, #tpu.memory_space<vmem>>) target(%dma_start3A_250 : memref<128x256xf32, #tpu.memory_space<hbm>>) target_semaphore(%arg12 : memref<!tpu.dma_semaphore, #tpu.memory_space<semaphore_mem>>)
    %dma_wait3A_251 = arith.constant 0 : i32
    %dma_wait3A_252 = tpu.memref_slice %arg4[%add3A_246, %dma_wait3A_251] : memref<65536x256xf32, #tpu.memory_space<hbm>> -> memref<128x256xf32, #tpu.memory_space<hbm>>
    %dma_wait3A_253 = arith.constant 0 : i32
    %dma_wait3A_254 = tpu.memref_slice %arg4[%add3A_246, %dma_wait3A_253] : memref<65536x256xf32, #tpu.memory_space<hbm>> -> memref<128x256xf32, #tpu.memory_space<hbm>>
    tpu.wait_dma2 semaphore(%arg12 : memref<!tpu.dma_semaphore, #tpu.memory_space<semaphore_mem>>) src(%arg6 : memref<128x256xf32, #tpu.memory_space<vmem>>) dst(%dma_wait3A_254 : memref<128x256xf32, #tpu.memory_space<hbm>>)
    %dma_start3A_255 = arith.constant 12 : i32
    %dma_start3A_256 = arith.constant 0 : i32
    %dma_start3A_257 = tpu.memref_slice %arg5[%dma_start3A_255, %dma_start3A_256] : memref<16x128xi32, #tpu.memory_space<vmem>> -> memref<1x128xi32, #tpu.memory_space<vmem>>
    %dma_start3A_258 = tpu.memref_squeeze %dma_start3A_257 : memref<1x128xi32, #tpu.memory_space<vmem>> -> memref<128xi32, #tpu.memory_space<vmem>>
    %dma_start3A_259 = arith.constant 0 : i32
    %dma_start3A_260 = arith.constant 0 : i32
    %dma_start3A_261 = tpu.memref_slice %arg2[%dma_start3A_259, %dma_start3A_260] : memref<65536x256xf32, #tpu.memory_space<hbm>> -> memref<65536x256xf32, #tpu.memory_space<hbm>>
    tpu.enqueue_indirect_dma source(%dma_start3A_261 : memref<65536x256xf32, #tpu.memory_space<hbm>>) target(%arg6 : memref<128x256xf32, #tpu.memory_space<vmem>>) offsets(%dma_start3A_258 : memref<128xi32, #tpu.memory_space<vmem>>) semaphore(%arg9 : memref<!tpu.dma_semaphore, #tpu.memory_space<semaphore_mem>>)
    %dma_wait3A_262 = arith.constant 10 : i32
    %dma_wait3A_263 = arith.constant 0 : i32
    %dma_wait3A_264 = tpu.memref_slice %arg5[%dma_wait3A_262, %dma_wait3A_263] : memref<16x128xi32, #tpu.memory_space<vmem>> -> memref<1x128xi32, #tpu.memory_space<vmem>>
    %dma_wait3A_265 = tpu.memref_squeeze %dma_wait3A_264 : memref<1x128xi32, #tpu.memory_space<vmem>> -> memref<128xi32, #tpu.memory_space<vmem>>
    %dma_wait3A_266 = arith.constant 0 : i32
    %dma_wait3A_267 = arith.constant 0 : i32
    %dma_wait3A_268 = tpu.memref_slice %arg2[%dma_wait3A_266, %dma_wait3A_267] : memref<65536x256xf32, #tpu.memory_space<hbm>> -> memref<65536x256xf32, #tpu.memory_space<hbm>>
    tpu.wait_indirect_dma semaphore(%arg10 : memref<!tpu.dma_semaphore, #tpu.memory_space<semaphore_mem>>) src(%dma_wait3A_268 : memref<65536x256xf32, #tpu.memory_space<hbm>>) dst(%arg7 : memref<128x256xf32, #tpu.memory_space<vmem>>)
    %add3A_269 = arith.constant 1280 : i32
    %add3A_270 = arith.addi %mul3A_2, %add3A_269 : i32
    %dma_start3A_271 = arith.constant 0 : i32
    %dma_start3A_272 = tpu.memref_slice %arg4[%add3A_270, %dma_start3A_271] : memref<65536x256xf32, #tpu.memory_space<hbm>> -> memref<128x256xf32, #tpu.memory_space<hbm>>
    %dma_start3A_273 = arith.constant 0 : i32
    %dma_start3A_274 = tpu.memref_slice %arg4[%add3A_270, %dma_start3A_273] : memref<65536x256xf32, #tpu.memory_space<hbm>> -> memref<128x256xf32, #tpu.memory_space<hbm>>
    tpu.enqueue_dma source(%arg7 : memref<128x256xf32, #tpu.memory_space<vmem>>) target(%dma_start3A_274 : memref<128x256xf32, #tpu.memory_space<hbm>>) target_semaphore(%arg13 : memref<!tpu.dma_semaphore, #tpu.memory_space<semaphore_mem>>)
    %dma_wait3A_275 = arith.constant 0 : i32
    %dma_wait3A_276 = tpu.memref_slice %arg4[%add3A_270, %dma_wait3A_275] : memref<65536x256xf32, #tpu.memory_space<hbm>> -> memref<128x256xf32, #tpu.memory_space<hbm>>
    %dma_wait3A_277 = arith.constant 0 : i32
    %dma_wait3A_278 = tpu.memref_slice %arg4[%add3A_270, %dma_wait3A_277] : memref<65536x256xf32, #tpu.memory_space<hbm>> -> memref<128x256xf32, #tpu.memory_space<hbm>>
    tpu.wait_dma2 semaphore(%arg13 : memref<!tpu.dma_semaphore, #tpu.memory_space<semaphore_mem>>) src(%arg7 : memref<128x256xf32, #tpu.memory_space<vmem>>) dst(%dma_wait3A_278 : memref<128x256xf32, #tpu.memory_space<hbm>>)
    %dma_start3A_279 = arith.constant 13 : i32
    %dma_start3A_280 = arith.constant 0 : i32
    %dma_start3A_281 = tpu.memref_slice %arg5[%dma_start3A_279, %dma_start3A_280] : memref<16x128xi32, #tpu.memory_space<vmem>> -> memref<1x128xi32, #tpu.memory_space<vmem>>
    %dma_start3A_282 = tpu.memref_squeeze %dma_start3A_281 : memref<1x128xi32, #tpu.memory_space<vmem>> -> memref<128xi32, #tpu.memory_space<vmem>>
    %dma_start3A_283 = arith.constant 0 : i32
    %dma_start3A_284 = arith.constant 0 : i32
    %dma_start3A_285 = tpu.memref_slice %arg2[%dma_start3A_283, %dma_start3A_284] : memref<65536x256xf32, #tpu.memory_space<hbm>> -> memref<65536x256xf32, #tpu.memory_space<hbm>>
    tpu.enqueue_indirect_dma source(%dma_start3A_285 : memref<65536x256xf32, #tpu.memory_space<hbm>>) target(%arg7 : memref<128x256xf32, #tpu.memory_space<vmem>>) offsets(%dma_start3A_282 : memref<128xi32, #tpu.memory_space<vmem>>) semaphore(%arg10 : memref<!tpu.dma_semaphore, #tpu.memory_space<semaphore_mem>>)
    %dma_wait3A_286 = arith.constant 11 : i32
    %dma_wait3A_287 = arith.constant 0 : i32
    %dma_wait3A_288 = tpu.memref_slice %arg5[%dma_wait3A_286, %dma_wait3A_287] : memref<16x128xi32, #tpu.memory_space<vmem>> -> memref<1x128xi32, #tpu.memory_space<vmem>>
    %dma_wait3A_289 = tpu.memref_squeeze %dma_wait3A_288 : memref<1x128xi32, #tpu.memory_space<vmem>> -> memref<128xi32, #tpu.memory_space<vmem>>
    %dma_wait3A_290 = arith.constant 0 : i32
    %dma_wait3A_291 = arith.constant 0 : i32
    %dma_wait3A_292 = tpu.memref_slice %arg2[%dma_wait3A_290, %dma_wait3A_291] : memref<65536x256xf32, #tpu.memory_space<hbm>> -> memref<65536x256xf32, #tpu.memory_space<hbm>>
    tpu.wait_indirect_dma semaphore(%arg11 : memref<!tpu.dma_semaphore, #tpu.memory_space<semaphore_mem>>) src(%dma_wait3A_292 : memref<65536x256xf32, #tpu.memory_space<hbm>>) dst(%arg8 : memref<128x256xf32, #tpu.memory_space<vmem>>)
    %add3A_293 = arith.constant 1408 : i32
    %add3A_294 = arith.addi %mul3A_2, %add3A_293 : i32
    %dma_start3A_295 = arith.constant 0 : i32
    %dma_start3A_296 = tpu.memref_slice %arg4[%add3A_294, %dma_start3A_295] : memref<65536x256xf32, #tpu.memory_space<hbm>> -> memref<128x256xf32, #tpu.memory_space<hbm>>
    %dma_start3A_297 = arith.constant 0 : i32
    %dma_start3A_298 = tpu.memref_slice %arg4[%add3A_294, %dma_start3A_297] : memref<65536x256xf32, #tpu.memory_space<hbm>> -> memref<128x256xf32, #tpu.memory_space<hbm>>
    tpu.enqueue_dma source(%arg8 : memref<128x256xf32, #tpu.memory_space<vmem>>) target(%dma_start3A_298 : memref<128x256xf32, #tpu.memory_space<hbm>>) target_semaphore(%arg14 : memref<!tpu.dma_semaphore, #tpu.memory_space<semaphore_mem>>)
    %dma_wait3A_299 = arith.constant 0 : i32
    %dma_wait3A_300 = tpu.memref_slice %arg4[%add3A_294, %dma_wait3A_299] : memref<65536x256xf32, #tpu.memory_space<hbm>> -> memref<128x256xf32, #tpu.memory_space<hbm>>
    %dma_wait3A_301 = arith.constant 0 : i32
    %dma_wait3A_302 = tpu.memref_slice %arg4[%add3A_294, %dma_wait3A_301] : memref<65536x256xf32, #tpu.memory_space<hbm>> -> memref<128x256xf32, #tpu.memory_space<hbm>>
    tpu.wait_dma2 semaphore(%arg14 : memref<!tpu.dma_semaphore, #tpu.memory_space<semaphore_mem>>) src(%arg8 : memref<128x256xf32, #tpu.memory_space<vmem>>) dst(%dma_wait3A_302 : memref<128x256xf32, #tpu.memory_space<hbm>>)
    %dma_start3A_303 = arith.constant 14 : i32
    %dma_start3A_304 = arith.constant 0 : i32
    %dma_start3A_305 = tpu.memref_slice %arg5[%dma_start3A_303, %dma_start3A_304] : memref<16x128xi32, #tpu.memory_space<vmem>> -> memref<1x128xi32, #tpu.memory_space<vmem>>
    %dma_start3A_306 = tpu.memref_squeeze %dma_start3A_305 : memref<1x128xi32, #tpu.memory_space<vmem>> -> memref<128xi32, #tpu.memory_space<vmem>>
    %dma_start3A_307 = arith.constant 0 : i32
    %dma_start3A_308 = arith.constant 0 : i32
    %dma_start3A_309 = tpu.memref_slice %arg2[%dma_start3A_307, %dma_start3A_308] : memref<65536x256xf32, #tpu.memory_space<hbm>> -> memref<65536x256xf32, #tpu.memory_space<hbm>>
    tpu.enqueue_indirect_dma source(%dma_start3A_309 : memref<65536x256xf32, #tpu.memory_space<hbm>>) target(%arg8 : memref<128x256xf32, #tpu.memory_space<vmem>>) offsets(%dma_start3A_306 : memref<128xi32, #tpu.memory_space<vmem>>) semaphore(%arg11 : memref<!tpu.dma_semaphore, #tpu.memory_space<semaphore_mem>>)
    %dma_wait3A_310 = arith.constant 12 : i32
    %dma_wait3A_311 = arith.constant 0 : i32
    %dma_wait3A_312 = tpu.memref_slice %arg5[%dma_wait3A_310, %dma_wait3A_311] : memref<16x128xi32, #tpu.memory_space<vmem>> -> memref<1x128xi32, #tpu.memory_space<vmem>>
    %dma_wait3A_313 = tpu.memref_squeeze %dma_wait3A_312 : memref<1x128xi32, #tpu.memory_space<vmem>> -> memref<128xi32, #tpu.memory_space<vmem>>
    %dma_wait3A_314 = arith.constant 0 : i32
    %dma_wait3A_315 = arith.constant 0 : i32
    %dma_wait3A_316 = tpu.memref_slice %arg2[%dma_wait3A_314, %dma_wait3A_315] : memref<65536x256xf32, #tpu.memory_space<hbm>> -> memref<65536x256xf32, #tpu.memory_space<hbm>>
    tpu.wait_indirect_dma semaphore(%arg9 : memref<!tpu.dma_semaphore, #tpu.memory_space<semaphore_mem>>) src(%dma_wait3A_316 : memref<65536x256xf32, #tpu.memory_space<hbm>>) dst(%arg6 : memref<128x256xf32, #tpu.memory_space<vmem>>)
    %add3A_317 = arith.constant 1536 : i32
    %add3A_318 = arith.addi %mul3A_2, %add3A_317 : i32
    %dma_start3A_319 = arith.constant 0 : i32
    %dma_start3A_320 = tpu.memref_slice %arg4[%add3A_318, %dma_start3A_319] : memref<65536x256xf32, #tpu.memory_space<hbm>> -> memref<128x256xf32, #tpu.memory_space<hbm>>
    %dma_start3A_321 = arith.constant 0 : i32
    %dma_start3A_322 = tpu.memref_slice %arg4[%add3A_318, %dma_start3A_321] : memref<65536x256xf32, #tpu.memory_space<hbm>> -> memref<128x256xf32, #tpu.memory_space<hbm>>
    tpu.enqueue_dma source(%arg6 : memref<128x256xf32, #tpu.memory_space<vmem>>) target(%dma_start3A_322 : memref<128x256xf32, #tpu.memory_space<hbm>>) target_semaphore(%arg12 : memref<!tpu.dma_semaphore, #tpu.memory_space<semaphore_mem>>)
    %dma_wait3A_323 = arith.constant 0 : i32
    %dma_wait3A_324 = tpu.memref_slice %arg4[%add3A_318, %dma_wait3A_323] : memref<65536x256xf32, #tpu.memory_space<hbm>> -> memref<128x256xf32, #tpu.memory_space<hbm>>
    %dma_wait3A_325 = arith.constant 0 : i32
    %dma_wait3A_326 = tpu.memref_slice %arg4[%add3A_318, %dma_wait3A_325] : memref<65536x256xf32, #tpu.memory_space<hbm>> -> memref<128x256xf32, #tpu.memory_space<hbm>>
    tpu.wait_dma2 semaphore(%arg12 : memref<!tpu.dma_semaphore, #tpu.memory_space<semaphore_mem>>) src(%arg6 : memref<128x256xf32, #tpu.memory_space<vmem>>) dst(%dma_wait3A_326 : memref<128x256xf32, #tpu.memory_space<hbm>>)
    %dma_start3A_327 = arith.constant 15 : i32
    %dma_start3A_328 = arith.constant 0 : i32
    %dma_start3A_329 = tpu.memref_slice %arg5[%dma_start3A_327, %dma_start3A_328] : memref<16x128xi32, #tpu.memory_space<vmem>> -> memref<1x128xi32, #tpu.memory_space<vmem>>
    %dma_start3A_330 = tpu.memref_squeeze %dma_start3A_329 : memref<1x128xi32, #tpu.memory_space<vmem>> -> memref<128xi32, #tpu.memory_space<vmem>>
    %dma_start3A_331 = arith.constant 0 : i32
    %dma_start3A_332 = arith.constant 0 : i32
    %dma_start3A_333 = tpu.memref_slice %arg2[%dma_start3A_331, %dma_start3A_332] : memref<65536x256xf32, #tpu.memory_space<hbm>> -> memref<65536x256xf32, #tpu.memory_space<hbm>>
    tpu.enqueue_indirect_dma source(%dma_start3A_333 : memref<65536x256xf32, #tpu.memory_space<hbm>>) target(%arg6 : memref<128x256xf32, #tpu.memory_space<vmem>>) offsets(%dma_start3A_330 : memref<128xi32, #tpu.memory_space<vmem>>) semaphore(%arg9 : memref<!tpu.dma_semaphore, #tpu.memory_space<semaphore_mem>>)
    %dma_wait3A_334 = arith.constant 13 : i32
    %dma_wait3A_335 = arith.constant 0 : i32
    %dma_wait3A_336 = tpu.memref_slice %arg5[%dma_wait3A_334, %dma_wait3A_335] : memref<16x128xi32, #tpu.memory_space<vmem>> -> memref<1x128xi32, #tpu.memory_space<vmem>>
    %dma_wait3A_337 = tpu.memref_squeeze %dma_wait3A_336 : memref<1x128xi32, #tpu.memory_space<vmem>> -> memref<128xi32, #tpu.memory_space<vmem>>
    %dma_wait3A_338 = arith.constant 0 : i32
    %dma_wait3A_339 = arith.constant 0 : i32
    %dma_wait3A_340 = tpu.memref_slice %arg2[%dma_wait3A_338, %dma_wait3A_339] : memref<65536x256xf32, #tpu.memory_space<hbm>> -> memref<65536x256xf32, #tpu.memory_space<hbm>>
    tpu.wait_indirect_dma semaphore(%arg10 : memref<!tpu.dma_semaphore, #tpu.memory_space<semaphore_mem>>) src(%dma_wait3A_340 : memref<65536x256xf32, #tpu.memory_space<hbm>>) dst(%arg7 : memref<128x256xf32, #tpu.memory_space<vmem>>)
    %add3A_341 = arith.constant 1664 : i32
    %add3A_342 = arith.addi %mul3A_2, %add3A_341 : i32
    %dma_start3A_343 = arith.constant 0 : i32
    %dma_start3A_344 = tpu.memref_slice %arg4[%add3A_342, %dma_start3A_343] : memref<65536x256xf32, #tpu.memory_space<hbm>> -> memref<128x256xf32, #tpu.memory_space<hbm>>
    %dma_start3A_345 = arith.constant 0 : i32
    %dma_start3A_346 = tpu.memref_slice %arg4[%add3A_342, %dma_start3A_345] : memref<65536x256xf32, #tpu.memory_space<hbm>> -> memref<128x256xf32, #tpu.memory_space<hbm>>
    tpu.enqueue_dma source(%arg7 : memref<128x256xf32, #tpu.memory_space<vmem>>) target(%dma_start3A_346 : memref<128x256xf32, #tpu.memory_space<hbm>>) target_semaphore(%arg13 : memref<!tpu.dma_semaphore, #tpu.memory_space<semaphore_mem>>)
    %dma_wait3A_347 = arith.constant 14 : i32
    %dma_wait3A_348 = arith.constant 0 : i32
    %dma_wait3A_349 = tpu.memref_slice %arg5[%dma_wait3A_347, %dma_wait3A_348] : memref<16x128xi32, #tpu.memory_space<vmem>> -> memref<1x128xi32, #tpu.memory_space<vmem>>
    %dma_wait3A_350 = tpu.memref_squeeze %dma_wait3A_349 : memref<1x128xi32, #tpu.memory_space<vmem>> -> memref<128xi32, #tpu.memory_space<vmem>>
    %dma_wait3A_351 = arith.constant 0 : i32
    %dma_wait3A_352 = arith.constant 0 : i32
    %dma_wait3A_353 = tpu.memref_slice %arg2[%dma_wait3A_351, %dma_wait3A_352] : memref<65536x256xf32, #tpu.memory_space<hbm>> -> memref<65536x256xf32, #tpu.memory_space<hbm>>
    tpu.wait_indirect_dma semaphore(%arg11 : memref<!tpu.dma_semaphore, #tpu.memory_space<semaphore_mem>>) src(%dma_wait3A_353 : memref<65536x256xf32, #tpu.memory_space<hbm>>) dst(%arg8 : memref<128x256xf32, #tpu.memory_space<vmem>>)
    %add3A_354 = arith.constant 1792 : i32
    %add3A_355 = arith.addi %mul3A_2, %add3A_354 : i32
    %dma_start3A_356 = arith.constant 0 : i32
    %dma_start3A_357 = tpu.memref_slice %arg4[%add3A_355, %dma_start3A_356] : memref<65536x256xf32, #tpu.memory_space<hbm>> -> memref<128x256xf32, #tpu.memory_space<hbm>>
    %dma_start3A_358 = arith.constant 0 : i32
    %dma_start3A_359 = tpu.memref_slice %arg4[%add3A_355, %dma_start3A_358] : memref<65536x256xf32, #tpu.memory_space<hbm>> -> memref<128x256xf32, #tpu.memory_space<hbm>>
    tpu.enqueue_dma source(%arg8 : memref<128x256xf32, #tpu.memory_space<vmem>>) target(%dma_start3A_359 : memref<128x256xf32, #tpu.memory_space<hbm>>) target_semaphore(%arg14 : memref<!tpu.dma_semaphore, #tpu.memory_space<semaphore_mem>>)
    %dma_wait3A_360 = arith.constant 15 : i32
    %dma_wait3A_361 = arith.constant 0 : i32
    %dma_wait3A_362 = tpu.memref_slice %arg5[%dma_wait3A_360, %dma_wait3A_361] : memref<16x128xi32, #tpu.memory_space<vmem>> -> memref<1x128xi32, #tpu.memory_space<vmem>>
    %dma_wait3A_363 = tpu.memref_squeeze %dma_wait3A_362 : memref<1x128xi32, #tpu.memory_space<vmem>> -> memref<128xi32, #tpu.memory_space<vmem>>
    %dma_wait3A_364 = arith.constant 0 : i32
    %dma_wait3A_365 = arith.constant 0 : i32
    %dma_wait3A_366 = tpu.memref_slice %arg2[%dma_wait3A_364, %dma_wait3A_365] : memref<65536x256xf32, #tpu.memory_space<hbm>> -> memref<65536x256xf32, #tpu.memory_space<hbm>>
    tpu.wait_indirect_dma semaphore(%arg9 : memref<!tpu.dma_semaphore, #tpu.memory_space<semaphore_mem>>) src(%dma_wait3A_366 : memref<65536x256xf32, #tpu.memory_space<hbm>>) dst(%arg6 : memref<128x256xf32, #tpu.memory_space<vmem>>)
    %add3A_367 = arith.constant 1920 : i32
    %add3A_368 = arith.addi %mul3A_2, %add3A_367 : i32
    %dma_start3A_369 = arith.constant 0 : i32
    %dma_start3A_370 = tpu.memref_slice %arg4[%add3A_368, %dma_start3A_369] : memref<65536x256xf32, #tpu.memory_space<hbm>> -> memref<128x256xf32, #tpu.memory_space<hbm>>
    %dma_start3A_371 = arith.constant 0 : i32
    %dma_start3A_372 = tpu.memref_slice %arg4[%add3A_368, %dma_start3A_371] : memref<65536x256xf32, #tpu.memory_space<hbm>> -> memref<128x256xf32, #tpu.memory_space<hbm>>
    tpu.enqueue_dma source(%arg6 : memref<128x256xf32, #tpu.memory_space<vmem>>) target(%dma_start3A_372 : memref<128x256xf32, #tpu.memory_space<hbm>>) target_semaphore(%arg12 : memref<!tpu.dma_semaphore, #tpu.memory_space<semaphore_mem>>)
    %dma_wait3A_373 = arith.constant 0 : i32
    %dma_wait3A_374 = tpu.memref_slice %arg4[%add3A_342, %dma_wait3A_373] : memref<65536x256xf32, #tpu.memory_space<hbm>> -> memref<128x256xf32, #tpu.memory_space<hbm>>
    %dma_wait3A_375 = arith.constant 0 : i32
    %dma_wait3A_376 = tpu.memref_slice %arg4[%add3A_342, %dma_wait3A_375] : memref<65536x256xf32, #tpu.memory_space<hbm>> -> memref<128x256xf32, #tpu.memory_space<hbm>>
    tpu.wait_dma2 semaphore(%arg13 : memref<!tpu.dma_semaphore, #tpu.memory_space<semaphore_mem>>) src(%arg7 : memref<128x256xf32, #tpu.memory_space<vmem>>) dst(%dma_wait3A_376 : memref<128x256xf32, #tpu.memory_space<hbm>>)
    %dma_wait3A_377 = arith.constant 0 : i32
    %dma_wait3A_378 = tpu.memref_slice %arg4[%add3A_355, %dma_wait3A_377] : memref<65536x256xf32, #tpu.memory_space<hbm>> -> memref<128x256xf32, #tpu.memory_space<hbm>>
    %dma_wait3A_379 = arith.constant 0 : i32
    %dma_wait3A_380 = tpu.memref_slice %arg4[%add3A_355, %dma_wait3A_379] : memref<65536x256xf32, #tpu.memory_space<hbm>> -> memref<128x256xf32, #tpu.memory_space<hbm>>
    tpu.wait_dma2 semaphore(%arg14 : memref<!tpu.dma_semaphore, #tpu.memory_space<semaphore_mem>>) src(%arg8 : memref<128x256xf32, #tpu.memory_space<vmem>>) dst(%dma_wait3A_380 : memref<128x256xf32, #tpu.memory_space<hbm>>)
    %dma_wait3A_381 = arith.constant 0 : i32
    %dma_wait3A_382 = tpu.memref_slice %arg4[%add3A_368, %dma_wait3A_381] : memref<65536x256xf32, #tpu.memory_space<hbm>> -> memref<128x256xf32, #tpu.memory_space<hbm>>
    %dma_wait3A_383 = arith.constant 0 : i32
    %dma_wait3A_384 = tpu.memref_slice %arg4[%add3A_368, %dma_wait3A_383] : memref<65536x256xf32, #tpu.memory_space<hbm>> -> memref<128x256xf32, #tpu.memory_space<hbm>>
    tpu.wait_dma2 semaphore(%arg12 : memref<!tpu.dma_semaphore, #tpu.memory_space<semaphore_mem>>) src(%arg6 : memref<128x256xf32, #tpu.memory_space<vmem>>) dst(%dma_wait3A_384 : memref<128x256xf32, #tpu.memory_space<hbm>>)
    return
  }
}

</mosaic_0001>

<sc_bundles>
// kernel: kernel.3.cloned.1.call-start
scs
__scs_entry_jumppad:
0x0: {  	(pc) =	sbr.rel $0x88, $3  }
0x1: {  	(tag) =	ssettag $0x0;
	lr =	simm.s32 $0x1  }
0x2: {  	[smem:$0x3F9F] =	sst lr;
	_ =	strace $0xD0000000  }
0x3: {  	_ = 	snop  }
0x4: {  	_ = 	snop  }
0x5: {  	_ = 	snop  }
0x6: {  	_ = 	snop  }
0x7: {  	_ = 	snop  }
__scs_overlays_trampoline_lowered:
0x8: {  	[smem:$0x3FAE] =	sst s0  }
0x9: {  	[smem:$0x3FAF] =	sst s1  }
0xa: {  	[smem:$0x3FB0] =	sst s2  }
0xb: {  	[smem:$0x3FB1] =	sst s3  }
0xc: {  	[smem:$0x3FB2] =	sst s4  }
0xd: {  	[smem:$0x3FB3] =	sst s5  }
0xe: {  	[smem:$0x3FB4] =	sst s6  }
0xf: {  	[smem:$0x3FB5] =	sst s7  }
0x10: {  	[smem:$0x3FB6] =	sst s8  }
0x11: {  	[smem:$0x3FB7] =	sst s9;
	s0 =	simm.s32 @!p0 $0x0  }
0x12: {  	s1 =	sld [smem:$0x3F9D];
	s0 =	simm.s32 @p0 $0x1  }
0x13: {  	[smem:$0x3FB8] =	sst s0;
	s0 =	simm.s32 @!p1 $0x0  }
0x14: {  	s2 =	sld [smem:$0x3F9C];
	s0 =	simm.s32 @p1 $0x1  }
0x15: {  	[smem:$0x3FB9] =	sst s0;
	s0 =	simm.s32 @!p2 $0x0  }
0x16: {  	s3 =	sld [smem:$0x3FDB];
	s0 =	simm.s32 @p2 $0x1  }
0x17: {  	s4 =	simm.s32 $0x1BF5;
	[smem:$0x3FBB] =	sst s0  }
0x18: {  	s0 =	sld [smem:$0x3F9E];
	_ =	swait.ge [sflag:s4], $0x0  }
0x19: {  	s7 =	sld [smem:$0x3F9F]  }
0x1a: {  	s8 =	sadd.s32 $0xFFFFE003, lr  }
0x1b: {  	s9 =	sadd.s32 $0xFFFFFEF7, lr;
	s5 =	simm.s32 $0xFFFFFFFF;
	p2 =	slt.u32 s8, $0xFFFFF086  }
0x1c: {  	p1 =	slt.u32 s9, $0xF7A;
	s5 =	simm.s32 @!p2 $0x0  }
0x1d: {  	s5 =	simm.s32 @p1 $0x1;
	p0 =	seq.s32 s7, s2  }
0x1e: {  	s7 =	smul.u32 @!p0 $0xF7A, s2;
	p2 =	seq.s32 @!p0 s5, $0x0  }
0x1f: {  	s9 =	smul.u32 $0xF7A, s1;
	s8 =	simm.s32 @!p0 $0x1BF5;
	p2 =	por !p2, p0  }
0x20: {  	[sflag:s8] =	ssyncset.s32 @!p0 $0xFFFFF086;
	s6 =	sadd.s32 @!p0 s3, s7;
	s7 =	simm.s32 @!p0 $0x108  }
0x21: {  	s3 =	sadd.s32 s3, s9;
	s6 =	sadd.s32 @!p0 $0x88, s6;
	s7 =	simm.s32 @p2 $0x1082  }
0x22: {  	[simem:s7], [sflag:s8] =	dma.local @!p0 [hbm:s6], $0xF7A  }
0x23: {  	s9 =	sor.u32 $0xD0000000, s2;
	s6 =	simm.s32 $0x108;
	_ =	swait.ge @!p0 [sflag:s8], $0x0  }
0x24: {  	s3 =	sadd.s32 $0x88, s3;
	s6 =	simm.s32 @!p1 $0x1082;
	[sflag:s4] =	ssyncset.s32 $0xFFFFF086  }
0x25: {  	[simem:s6], [sflag:s4] =	dma.local [hbm:s3], $0xF7A  }
0x26: {  	[smem:$0x3F9F] =	sst s1;
	(tag) =	ssettag s2;
	_ =	strace s9  }
0x27: {  	s1 =	sld [smem:$0x3FAF]  }
0x28: {  	s2 =	sld [smem:$0x3FB0]  }
0x29: {  	s4 =	sld [smem:$0x3FB2]  }
0x2a: {  	p0 =	seq.s32 s5, $0x0;
	s5 =	sld [smem:$0x3FB3]  }
0x2b: {  	s6 =	sld [smem:$0x3FB4]  }
0x2c: {  	s7 =	sld [smem:$0x3FB5]  }
0x2d: {  	s3 =	simm.s32 $0x108;
	s8 =	sld [smem:$0x3FB6]  }
0x2e: {  	s3 =	simm.s32 @!p0 $0x1082;
	s9 =	sld [smem:$0x3FB7]  }
0x2f: {  	lr =	sadd.s32 s0, s3;
	s0 =	sld [smem:$0x3FAE]  }
0x30: {  	s3 =	sld [smem:$0x3FB1]  }
0x31: {  	[smem:$0x3FBA] =	sst s10  }
0x32: {  	s10 =	sld [smem:$0x3FB8];
	_ =	sdelay $0x3  }
0x33: {  	p0 =	seq.s32 s10, $0x1;
	s10 =	sld [smem:$0x3FBA];
	_ =	sdelay $0x3  }
0x34: {  	[smem:$0x3FBA] =	sst s10  }
0x35: {  	s10 =	sld [smem:$0x3FB9];
	_ =	sdelay $0x3  }
0x36: {  	p1 =	seq.s32 s10, $0x1;
	s10 =	sld [smem:$0x3FBA];
	_ =	sdelay $0x3  }
0x37: {  	[smem:$0x3FBA] =	sst s10  }
0x38: {  	s10 =	sld [smem:$0x3FBB]  }
0x39: {  	_ = 	snop;
	(pc) =	sbr.ind lr, $3  }
0x3a: {  	_ = 	snop  }
0x3b: {  	_ = 	snop  }
0x3c: {  	p2 =	seq.s32 s10, $0x1;
	s10 =	sld [smem:$0x3FBA]  }
0x3d: {  	_ =	shalt  }
0x3e: {  	_ =	shalt  }
0x3f: {  	_ =	shalt  }
0x40: {  	_ =	shalt  }
0x41: {  	_ =	shalt  }
0x42: {  	_ =	shalt  }
0x43: {  	_ =	shalt  }
0x44: {  	_ =	shalt  }
0x45: {  	_ =	shalt  }
0x46: {  	_ =	shalt  }
0x47: {  	_ =	shalt  }
0x48: {  	_ =	shalt  }
0x49: {  	_ =	shalt  }
0x4a: {  	_ =	shalt  }
0x4b: {  	_ =	shalt  }
0x4c: {  	_ =	shalt  }
0x4d: {  	_ =	shalt  }
0x4e: {  	_ =	shalt  }
0x4f: {  	_ =	shalt  }
0x50: {  	_ =	shalt  }
0x51: {  	_ =	shalt  }
0x52: {  	_ =	shalt  }
0x53: {  	_ =	shalt  }
0x54: {  	_ =	shalt  }
0x55: {  	_ =	shalt  }
0x56: {  	_ =	shalt  }
0x57: {  	_ =	shalt  }
0x58: {  	_ =	shalt  }
0x59: {  	_ =	shalt  }
0x5a: {  	_ =	shalt  }
0x5b: {  	_ =	shalt  }
0x5c: {  	_ =	shalt  }
0x5d: {  	_ =	shalt  }
0x5e: {  	_ =	shalt  }
0x5f: {  	_ =	shalt  }
0x60: {  	_ =	shalt  }
0x61: {  	_ =	shalt  }
0x62: {  	_ =	shalt  }
0x63: {  	_ =	shalt  }
0x64: {  	_ =	shalt  }
0x65: {  	_ =	shalt  }
0x66: {  	_ =	shalt  }
0x67: {  	_ =	shalt  }
0x68: {  	_ =	shalt  }
0x69: {  	_ =	shalt  }
0x6a: {  	_ =	shalt  }
0x6b: {  	_ =	shalt  }
0x6c: {  	_ =	shalt  }
0x6d: {  	_ =	shalt  }
0x6e: {  	_ =	shalt  }
0x6f: {  	_ =	shalt  }
0x70: {  	_ =	shalt  }
0x71: {  	_ =	shalt  }
0x72: {  	_ =	shalt  }
0x73: {  	_ =	shalt  }
0x74: {  	_ =	shalt  }
0x75: {  	_ =	shalt  }
0x76: {  	_ =	shalt  }
0x77: {  	_ =	shalt  }
0x78: {  	_ =	shalt  }
0x79: {  	_ =	shalt  }
0x7a: {  	_ =	shalt  }
0x7b: {  	_ =	shalt  }
0x7c: {  	_ =	shalt  }
0x7d: {  	_ =	shalt  }
0x7e: {  	_ =	shalt  }
0x7f: {  	_ =	shalt  }
0x80: {  	_ =	shalt  }
0x81: {  	_ =	shalt  }
0x82: {  	_ =	shalt  }
0x83: {  	_ =	shalt  }
0x84: {  	_ =	shalt  }
0x85: {  	_ =	shalt  }
0x86: {  	_ =	shalt  }
0x87: {  	_ =	shalt  }
.Lfunc_end0:
.L_simem_size_0:
called_computation_lowered:
.L_overlay_start_0:
0x88: {  	s2 =	sld [smem:$0x3FD9]  }
0x89: {  	s3 =	sld [smem:$0x3FFE];
	_ =	sdelay $0x1  }
0x8a: {  	s1 =	srdreg.scid  }
0x8b: {  	s0 =	sand.u32 $0x1, s1  }
0x8c: {  	s17 =	sshll.u32 s0, $0xA;
	s2 =	sadd.s32 s3, s2  }
0x8d: {  	s2 =	sadd.s32 s2, s17  }
0x8e: {  	[smem:$0x3FC6] =	sst s2  }
0x8f: {  	_ = 	snop  }
0x90: {  	s2 =	sld [smem:$0x3FC9]  }
0x91: {  	s18 =	sld [smem:$0x3FD0];
	(tm) =	ssettm $0x1  }
0x92: {  	s4 =	sld [smem:$0x3FFB];
	_ =	sdelay $0x3  }
0x93: {  	_ =	strace s4  }
0x94: {  	s4 =	sld [smem:$0x3FFC];
	_ =	sdelay $0x3  }
0x95: {  	_ =	strace s4  }
0x96: {  	s4 =	sld [smem:$0x3FFD];
	_ =	sdelay $0x3  }
0x97: {  	_ =	strace s4  }
0x98: {  	_ =	strace $0x8FFFFFFF  }
0x99: {  	s19 =	sld [smem:$0x3FDB];
	_ =	sdelay $0x1  }
0x9a: {  	s5 =	simm.s32 $_scs_section_size  }
0x9b: {  	s6 =	simm.s32 $_size__tile_overlayer_lowered;
	s7 =	simm.s32 $_tile_overlayer_lowered  }
0x9c: {  	s22 =	simm.s32 $0x1BFF;
	s21 =	sshll.u32 s7, $0x1;
	s4 =	sadd.s32 s5, s19  }
0x9d: {  	s8 =	simm.s32 $0x0;
	s20 =	sshll.u32 s6, $0x1;
	s6 =	sadd.s32 s21, s4  }
0x9e: {  	[timem:s8], [sflag:s22] =	dma.local [hbm:s6], s20  }
0x9f: {  	_ =	swait.ge [sflag:s22], s20  }
0xa0: {  	s5 =	ssub.s32 $0x0, s20;
	[sflag:s22] =	ssyncset.done $0x0  }
0xa1: {  	[sflag:s22] =	ssyncadd.s32 s5;
	_ =	sdelay $0x1  }
0xa2: {  	s23 =	simm.s32 $0x1B8B  }
0xa3: {  	_ =	swait.ge [sflag:s23], $0x1  }
0xa4: {  	[sflag:s23] =	ssyncset.done $0x0  }
0xa5: {  	s25 =	simm.s32 $0x1B8E;
	s24 =	sld [smem:$0x3FFE];
	[sflag:s23] =	ssyncadd.s32 $0xFFFFFFFF  }
0xa6: {  	s26 =	simm.s32 $execute0_lowered;
	[smem:$0x3FD2] =	sst s25  }
0xa7: {  	s6 =	sshll.u32 s26, $0x1;
	_ =	strace $0x80000046;
	[dreg:$0x1] =	wrdreg $0xFFFFFFFF  }
0xa8: {  	s28 =	simm.s32 $_size_execute0_lowered;
	s4 =	sadd.s32 s4, s6;
	[dreg:$0x0] =	wrdreg $0x0  }
0xa9: {  	s6 =	sshll.u32 s28, $0x1;
	[dreg:$0x2] =	wrdreg s4  }
0xaa: {  	[dreg:$0x3] =	wrdreg s6  }
0xab: {  	[dreg:$0x4] =	wrdreg $0xC0  }
0xac: {  	_ =	task [dreg:s8], $0x5FFFF  }
0xad: {  	[dreg:$0x1] =	wrdreg $0xFFFFFFFF  }
0xae: {  	[dreg:$0x0] =	wrdreg $0x60  }
0xaf: {  	[dreg:$0x2] =	wrdreg s2  }
0xb0: {  	[dreg:$0x3] =	wrdreg s24  }
0xb1: {  	[dreg:$0x4] =	wrdreg s18  }
0xb2: {  	[dreg:$0x5] =	wrdreg $0x9  }
0xb3: {  	_ =	task.clear_ibuf [dreg:s8], $0x6FFFF;
	_ =	strace $0x90000046  }
0xb4: {  	s29 =	simm.s32 $0x9;
	_ =	strace $0x80000048  }
0xb5: {  	_ =	swait.ge [sflag:s29], $0x1  }
0xb6: {  	[sflag:s29] =	ssyncadd.s32 $0xFFFFFFFF  }
0xb7: {  	_ =	strace $0x90000048  }
0xb8: {  	_ =	sfence  }
0xb9: {  	s30 =	sld [smem:$0x0];
	_ =	sdelay $0x2  }
0xba: {  	s31 =	sshll.u32 s1, $0xD;
	s1 =	sshrl.u32 s1, $0x2  }
0xbb: {  	s3 =	sand.u32 $0x4000, s31;
	s1 =	sadd.s32 s1, s30  }
0xbc: {  	s0 =	sor.u32 s3, s0;
	s1 =	sshll.u32 s1, $0x11  }
0xbd: {  	s0 =	sor.u32 s1, s0  }
0xbe: {  	s0 =	sadd.s32 $0x8F2B, s0  }
0xbf: {  	[sflag:s0] =	ssyncadd.remote.s32 $0x1  }
0xc0: {  	_ =	sfence.sel $0xFFFF  }
0xc1: {  	[dreg:$0x0] =	wrdreg $0xFFFFFFFF;
	(pc) =	sbr.abs _section_cstart, $3  }
0xc2: {  	[dreg:$0x1] =	wrdreg $0xFFFFFFFF  }
0xc3: {  	_ =	task.clear_ibuf [dreg:s8], $0x2FFFF;
	_ =	strace $0x9FFFFFFF  }
0xc4: {  	(tm) =	ssettm $0x7FFFFFFF  }
0xc5: {  	_ =	shalt  }
tec
execute0_lowered:
.L_overlay_start_1:
0x0: {  	(tag) =	ssettag $0x1  }
0x1: {  	s0 =	srdreg.scid  }
0x2: {  	s1 =	rddreg [dreg:$0x0];
	s3 =	stileid.u32;
	s0 =	sand.u32 $0x1, s0  }
0x3: {  	s2 =	rddreg [dreg:$0x1];
	s3 =	sshll.u32 s3, $0xC;
	s4 =	sshll.u32 s0, $0xB  }
0x4: {  	s5 =	rddreg [dreg:$0x2];
	s4 =	sor.u32 s4, s3  }
0x5: {  	s3 =	simm.s32 $0x0;
	s6 =	sshrl.u32 s4, $0x3;
	s4 =	sshll.u32 s4, $0x5  }
0x6: {  	[smem:$0x7FF] =	sst s3;
	s2 =	sadd.s32 s6, s2;
	s5 =	sadd.s32 s5, s4  }
0x7: {  	_ =	strace $0x80000047;
	s2 =	sadd.s32 $0x400, s2;
	[dreg:$0x14] =	wrdreg s5  }
0x8: {  	s14 =	sadd.s32 $0x1000, s5;
	[dreg:$0x4] =	wrdreg s2  }
0x9: {  	s15 =	sadd.s32 $0x2000, s5;
	[dreg:$0x5] =	wrdreg s14  }
0xa: {  	s16 =	sadd.s32 $0x3000, s5;
	[dreg:$0x6] =	wrdreg s15  }
0xb: {  	s17 =	sadd.s32 $0x4000, s5;
	[dreg:$0x7] =	wrdreg s16  }
0xc: {  	s18 =	sadd.s32 $0x5000, s5;
	[dreg:$0x8] =	wrdreg s17  }
0xd: {  	s19 =	sadd.s32 $0x6000, s5;
	[dreg:$0x9] =	wrdreg s18  }
0xe: {  	s20 =	sadd.s32 $0x7000, s5;
	[dreg:$0xa] =	wrdreg s19  }
0xf: {  	s21 =	sadd.s32 $0x8000, s5;
	[dreg:$0xb] =	wrdreg s20  }
0x10: {  	s22 =	sadd.s32 $0x9000, s5;
	[dreg:$0xc] =	wrdreg s21  }
0x11: {  	s28 =	simm.s32 $0x5;
	s23 =	sadd.s32 $0xA000, s5;
	[dreg:$0xd] =	wrdreg s22  }
0x12: {  	s0 =	ssub.s32 $0x2, s0;
	s24 =	sadd.s32 $0xB000, s5;
	[dreg:$0xe] =	wrdreg s23  }
0x13: {  	s29 =	sshrl.u32 s0, $0x1;
	s25 =	sadd.s32 $0xC000, s5;
	[dreg:$0xf] =	wrdreg s24  }
0x14: {  	s0 =	ssub.s32 s0, s29;
	s26 =	sadd.s32 $0xD000, s5;
	[dreg:$0x10] =	wrdreg s25  }
0x15: {  	v2 =	vlaneseq.u32;
	s0 =	smax.u32 s0, $0x1;
	s30 =	sadd.s32 $0xE000, s5;
	[dreg:$0x11] =	wrdreg s26  }
0x16: {  	vm0 =	vmmov $0xffff;
	v1 =	vshrl.u32 v2, $0x3;
	s6 =	simm.s32 $0x1;
	s31 =	sadd.s32 $0xF000, s5;
	[dreg:$0x12] =	wrdreg s30  }
0x17: {  	v0 =	vand.u32 $0x7, v2;
	v2 =	vor.u32 $0x8, v2;
	v1 =	vmul.u32 $0x8, v1;
	[dreg:$0x13] =	wrdreg s31;
	s24 =	simm.s32 $0x4;
	s26 =	simm.s32 $0x2  }
.LBB2_1:
0x18: {  	[dreg:$0x15] =	wrdreg s0  }
0x19: {  	s31 =	rddreg [dreg:$0x4];
	s18 =	simm.s32 $0x7  }
0x1a: {  	[tilespmem:s3], [sflag:$0x7] =	stream.linear.gather [hbm4b:s31+s3], $0x800, $0x38;
	[tilespmem:$0x18800] =	vst v63  }
0x1b: {  	_ =	swait.ge [sflag:s18], $0x800  }
0x1c: {  	[sflag:s18] =	ssyncset.done $0x0  }
0x1d: {  	[sflag:s18] =	ssyncadd.s32 $0xFFFFF800  }
0x1e: {  	v3 =	vld [tilespmem:$0x0];
	_ =	sdelay $0x4  }
0x1f: {  	v4 =	vshll.u32 v3, $0x1  }
0x20: {  	v3 =	vand.u32 $0x7, v3;
	v4 =	vand.u32 $0xFFFFFFF0, v4  }
0x21: {  	v3 =	vor.u32 v3, v4  }
0x22: {  	v4 =	vperm.xlane v3, v0;
	_ =	sdelay $0x1  }
0x23: {  	v3 =	vperm.xlane v3, v2;
	v4 =	vadd.s32 v1, v4;
	_ =	sdelay $0x1  }
0x24: {  	v3 =	vadd.s32 v1, v3;
	_ =	sdelay $0x1  }
0x25: {  	s19 =	simm.s32 $0x800  }
0x26: {  	[tilespmem:s19], [sflag:$0x1] =	stream.indirect_vreg.gather [hbm4b:s1+s3], $0x80, v4, vm0, $0xb8;
	[tilespmem:$0x18800] =	vst v63  }
0x27: {  	s20 =	simm.s32 $0x1000  }
0x28: {  	[tilespmem:s20], [sflag:$0x1] =	stream.indirect_vreg.gather [hbm4b:s1+s3], $0x80, v3, vm0, $0xb8;
	[tilespmem:$0x18800] =	vst v63  }
0x29: {  	v3 =	vld [tilespmem:$0x10];
	_ =	sdelay $0x4  }
0x2a: {  	v49 =	vshll.u32 v3, $0x1  }
0x2b: {  	v3 =	vand.u32 $0x7, v3;
	v4 =	vand.u32 $0xFFFFFFF0, v49  }
0x2c: {  	v3 =	vor.u32 v3, v4  }
0x2d: {  	v4 =	vperm.xlane v3, v0;
	_ =	sdelay $0x1  }
0x2e: {  	v3 =	vperm.xlane v3, v2;
	v4 =	vadd.s32 v1, v4;
	_ =	sdelay $0x1  }
0x2f: {  	v3 =	vadd.s32 v1, v3;
	_ =	sdelay $0x1  }
0x30: {  	s21 =	simm.s32 $0x1800  }
0x31: {  	[tilespmem:s21], [sflag:$0x1] =	stream.indirect_vreg.gather [hbm4b:s1+s3], $0x80, v4, vm0, $0xb8;
	[tilespmem:$0x18800] =	vst v63  }
0x32: {  	s22 =	simm.s32 $0x2000  }
0x33: {  	[tilespmem:s22], [sflag:$0x1] =	stream.indirect_vreg.gather [hbm4b:s1+s3], $0x80, v3, vm0, $0xb8;
	[tilespmem:$0x18800] =	vst v63  }
0x34: {  	v3 =	vld [tilespmem:$0x20];
	_ =	sdelay $0x4  }
0x35: {  	v50 =	vshll.u32 v3, $0x1  }
0x36: {  	v3 =	vand.u32 $0x7, v3;
	v4 =	vand.u32 $0xFFFFFFF0, v50  }
0x37: {  	v3 =	vor.u32 v3, v4  }
0x38: {  	v4 =	vperm.xlane v3, v0;
	_ =	sdelay $0x1  }
0x39: {  	v3 =	vperm.xlane v3, v2;
	v4 =	vadd.s32 v1, v4;
	_ =	sdelay $0x1  }
0x3a: {  	v3 =	vadd.s32 v1, v3;
	_ =	sdelay $0x1  }
0x3b: {  	s23 =	simm.s32 $0x2800  }
0x3c: {  	[tilespmem:s23], [sflag:$0x1] =	stream.indirect_vreg.gather [hbm4b:s1+s3], $0x80, v4, vm0, $0xb8;
	[tilespmem:$0x18800] =	vst v63  }
0x3d: {  	s25 =	simm.s32 $0x3000  }
0x3e: {  	[tilespmem:s25], [sflag:$0x1] =	stream.indirect_vreg.gather [hbm4b:s1+s3], $0x80, v3, vm0, $0xb8;
	[tilespmem:$0x18800] =	vst v63  }
0x3f: {  	v3 =	vld [tilespmem:$0x30];
	_ =	sdelay $0x4  }
0x40: {  	v51 =	vshll.u32 v3, $0x1  }
0x41: {  	v3 =	vand.u32 $0x7, v3;
	v4 =	vand.u32 $0xFFFFFFF0, v51  }
0x42: {  	v3 =	vor.u32 v3, v4  }
0x43: {  	v4 =	vperm.xlane v3, v0;
	_ =	sdelay $0x1  }
0x44: {  	v3 =	vperm.xlane v3, v2;
	v4 =	vadd.s32 v1, v4;
	_ =	sdelay $0x1  }
0x45: {  	v3 =	vadd.s32 v1, v3;
	_ =	sdelay $0x1  }
0x46: {  	s29 =	simm.s32 $0x3800  }
0x47: {  	[tilespmem:s29], [sflag:$0x1] =	stream.indirect_vreg.gather [hbm4b:s1+s3], $0x80, v4, vm0, $0xb8;
	[tilespmem:$0x18800] =	vst v63  }
0x48: {  	s30 =	simm.s32 $0x4000  }
0x49: {  	[tilespmem:s30], [sflag:$0x1] =	stream.indirect_vreg.gather [hbm4b:s1+s3], $0x80, v3, vm0, $0xb8;
	[tilespmem:$0x18800] =	vst v63  }
0x4a: {  	v3 =	vld [tilespmem:$0x40];
	_ =	sdelay $0x4  }
0x4b: {  	v52 =	vshll.u32 v3, $0x1  }
0x4c: {  	v3 =	vand.u32 $0x7, v3;
	v4 =	vand.u32 $0xFFFFFFF0, v52  }
0x4d: {  	v3 =	vor.u32 v3, v4  }
0x4e: {  	v4 =	vperm.xlane v3, v0;
	_ =	sdelay $0x1  }
0x4f: {  	v3 =	vperm.xlane v3, v2;
	v4 =	vadd.s32 v1, v4;
	_ =	sdelay $0x1  }
0x50: {  	v3 =	vadd.s32 v1, v3;
	_ =	sdelay $0x1  }
0x51: {  	s31 =	simm.s32 $0x4800  }
0x52: {  	[tilespmem:s31], [sflag:$0x1] =	stream.indirect_vreg.gather [hbm4b:s1+s3], $0x80, v4, vm0, $0xb8;
	[tilespmem:$0x18800] =	vst v63  }
0x53: {  	s5 =	simm.s32 $0x5000  }
0x54: {  	[tilespmem:s5], [sflag:$0x1] =	stream.indirect_vreg.gather [hbm4b:s1+s3], $0x80, v3, vm0, $0xb8;
	[tilespmem:$0x18800] =	vst v63  }
0x55: {  	v3 =	vld [tilespmem:$0x50];
	_ =	sdelay $0x4  }
0x56: {  	v53 =	vshll.u32 v3, $0x1  }
0x57: {  	v3 =	vand.u32 $0x7, v3;
	v4 =	vand.u32 $0xFFFFFFF0, v53  }
0x58: {  	v3 =	vor.u32 v3, v4  }
0x59: {  	v4 =	vperm.xlane v3, v0;
	_ =	sdelay $0x1  }
0x5a: {  	v3 =	vperm.xlane v3, v2;
	v4 =	vadd.s32 v1, v4;
	_ =	sdelay $0x1  }
0x5b: {  	v3 =	vadd.s32 v1, v3;
	_ =	sdelay $0x1  }
0x5c: {  	s7 =	simm.s32 $0x5800  }
0x5d: {  	[tilespmem:s7], [sflag:$0x1] =	stream.indirect_vreg.gather [hbm4b:s1+s3], $0x80, v4, vm0, $0xb8;
	[tilespmem:$0x18800] =	vst v63  }
0x5e: {  	s11 =	simm.s32 $0x6000  }
0x5f: {  	[tilespmem:s11], [sflag:$0x1] =	stream.indirect_vreg.gather [hbm4b:s1+s3], $0x80, v3, vm0, $0xb8;
	[tilespmem:$0x18800] =	vst v63  }
0x60: {  	v3 =	vld [tilespmem:$0x60];
	_ =	sdelay $0x4  }
0x61: {  	v54 =	vshll.u32 v3, $0x1  }
0x62: {  	v3 =	vand.u32 $0x7, v3;
	v4 =	vand.u32 $0xFFFFFFF0, v54  }
0x63: {  	v3 =	vor.u32 v3, v4  }
0x64: {  	v4 =	vperm.xlane v3, v0;
	_ =	sdelay $0x1  }
0x65: {  	v3 =	vperm.xlane v3, v2;
	v4 =	vadd.s32 v1, v4;
	_ =	sdelay $0x1  }
0x66: {  	v3 =	vadd.s32 v1, v3;
	_ =	sdelay $0x1  }
0x67: {  	s12 =	simm.s32 $0x6800  }
0x68: {  	[tilespmem:s12], [sflag:$0x1] =	stream.indirect_vreg.gather [hbm4b:s1+s3], $0x80, v4, vm0, $0xb8;
	[tilespmem:$0x18800] =	vst v63  }
0x69: {  	s13 =	simm.s32 $0x7000  }
0x6a: {  	[tilespmem:s13], [sflag:$0x1] =	stream.indirect_vreg.gather [hbm4b:s1+s3], $0x80, v3, vm0, $0xb8;
	[tilespmem:$0x18800] =	vst v63  }
0x6b: {  	v3 =	vld [tilespmem:$0x70];
	_ =	sdelay $0x4  }
0x6c: {  	v55 =	vshll.u32 v3, $0x1  }
0x6d: {  	v3 =	vand.u32 $0x7, v3;
	v4 =	vand.u32 $0xFFFFFFF0, v55  }
0x6e: {  	v3 =	vor.u32 v3, v4  }
0x6f: {  	v4 =	vperm.xlane v3, v0;
	_ =	sdelay $0x1  }
0x70: {  	v3 =	vperm.xlane v3, v2;
	v4 =	vadd.s32 v1, v4;
	_ =	sdelay $0x1  }
0x71: {  	v3 =	vadd.s32 v1, v3;
	_ =	sdelay $0x1  }
0x72: {  	s14 =	simm.s32 $0x7800  }
0x73: {  	[tilespmem:s14], [sflag:$0x1] =	stream.indirect_vreg.gather [hbm4b:s1+s3], $0x80, v4, vm0, $0xb8;
	[tilespmem:$0x18800] =	vst v63  }
0x74: {  	s15 =	simm.s32 $0x8000  }
0x75: {  	[tilespmem:s15], [sflag:$0x1] =	stream.indirect_vreg.gather [hbm4b:s1+s3], $0x80, v3, vm0, $0xb8;
	[tilespmem:$0x18800] =	vst v63  }
0x76: {  	v3 =	vld [tilespmem:$0x80];
	_ =	sdelay $0x4  }
0x77: {  	v56 =	vshll.u32 v3, $0x1  }
0x78: {  	v3 =	vand.u32 $0x7, v3;
	v4 =	vand.u32 $0xFFFFFFF0, v56  }
0x79: {  	v3 =	vor.u32 v3, v4  }
0x7a: {  	v4 =	vperm.xlane v3, v0;
	_ =	sdelay $0x1  }
0x7b: {  	v3 =	vperm.xlane v3, v2;
	v4 =	vadd.s32 v1, v4;
	_ =	sdelay $0x1  }
0x7c: {  	v3 =	vadd.s32 v1, v3;
	_ =	sdelay $0x1  }
0x7d: {  	s16 =	simm.s32 $0x8800  }
0x7e: {  	[tilespmem:s16], [sflag:$0x2] =	stream.indirect_vreg.gather [hbm4b:s1+s3], $0x80, v4, vm0, $0xb8;
	[tilespmem:$0x18800] =	vst v63  }
0x7f: {  	s18 =	simm.s32 $0x9000  }
0x80: {  	[tilespmem:s18], [sflag:$0x2] =	stream.indirect_vreg.gather [hbm4b:s1+s3], $0x80, v3, vm0, $0xb8;
	[tilespmem:$0x18800] =	vst v63  }
0x81: {  	v3 =	vld [tilespmem:$0x90];
	_ =	sdelay $0x4  }
0x82: {  	v57 =	vshll.u32 v3, $0x1  }
0x83: {  	v3 =	vand.u32 $0x7, v3;
	v4 =	vand.u32 $0xFFFFFFF0, v57  }
0x84: {  	v3 =	vor.u32 v3, v4  }
0x85: {  	v4 =	vperm.xlane v3, v0;
	_ =	sdelay $0x1  }
0x86: {  	v3 =	vperm.xlane v3, v2;
	v4 =	vadd.s32 v1, v4;
	_ =	sdelay $0x1  }
0x87: {  	v3 =	vadd.s32 v1, v3;
	_ =	sdelay $0x1  }
0x88: {  	s19 =	simm.s32 $0x9800  }
0x89: {  	[tilespmem:s19], [sflag:$0x2] =	stream.indirect_vreg.gather [hbm4b:s1+s3], $0x80, v4, vm0, $0xb8;
	[tilespmem:$0x18800] =	vst v63  }
0x8a: {  	s20 =	simm.s32 $0xA000  }
0x8b: {  	[tilespmem:s20], [sflag:$0x2] =	stream.indirect_vreg.gather [hbm4b:s1+s3], $0x80, v3, vm0, $0xb8;
	[tilespmem:$0x18800] =	vst v63  }
0x8c: {  	v3 =	vld [tilespmem:$0xA0];
	_ =	sdelay $0x4  }
0x8d: {  	v58 =	vshll.u32 v3, $0x1  }
0x8e: {  	v3 =	vand.u32 $0x7, v3;
	v4 =	vand.u32 $0xFFFFFFF0, v58  }
0x8f: {  	v3 =	vor.u32 v3, v4  }
0x90: {  	v4 =	vperm.xlane v3, v0;
	_ =	sdelay $0x1  }
0x91: {  	v3 =	vperm.xlane v3, v2;
	v4 =	vadd.s32 v1, v4;
	_ =	sdelay $0x1  }
0x92: {  	v3 =	vadd.s32 v1, v3;
	_ =	sdelay $0x1  }
0x93: {  	s21 =	simm.s32 $0xA800  }
0x94: {  	[tilespmem:s21], [sflag:$0x2] =	stream.indirect_vreg.gather [hbm4b:s1+s3], $0x80, v4, vm0, $0xb8;
	[tilespmem:$0x18800] =	vst v63  }
0x95: {  	s23 =	simm.s32 $0xB000  }
0x96: {  	[tilespmem:s23], [sflag:$0x2] =	stream.indirect_vreg.gather [hbm4b:s1+s3], $0x80, v3, vm0, $0xb8;
	[tilespmem:$0x18800] =	vst v63  }
0x97: {  	v3 =	vld [tilespmem:$0xB0];
	_ =	sdelay $0x4  }
0x98: {  	v59 =	vshll.u32 v3, $0x1  }
0x99: {  	v3 =	vand.u32 $0x7, v3;
	v4 =	vand.u32 $0xFFFFFFF0, v59  }
0x9a: {  	v3 =	vor.u32 v3, v4  }
0x9b: {  	v4 =	vperm.xlane v3, v0;
	_ =	sdelay $0x1  }
0x9c: {  	v3 =	vperm.xlane v3, v2;
	v4 =	vadd.s32 v1, v4;
	_ =	sdelay $0x1  }
0x9d: {  	v3 =	vadd.s32 v1, v3;
	_ =	sdelay $0x1  }
0x9e: {  	s25 =	simm.s32 $0xB800  }
0x9f: {  	[tilespmem:s25], [sflag:$0x2] =	stream.indirect_vreg.gather [hbm4b:s1+s3], $0x80, v4, vm0, $0xb8;
	[tilespmem:$0x18800] =	vst v63  }
0xa0: {  	s29 =	simm.s32 $0xC000  }
0xa1: {  	[tilespmem:s29], [sflag:$0x2] =	stream.indirect_vreg.gather [hbm4b:s1+s3], $0x80, v3, vm0, $0xb8;
	[tilespmem:$0x18800] =	vst v63  }
0xa2: {  	v3 =	vld [tilespmem:$0xC0];
	_ =	sdelay $0x4  }
0xa3: {  	v60 =	vshll.u32 v3, $0x1  }
0xa4: {  	v3 =	vand.u32 $0x7, v3;
	v4 =	vand.u32 $0xFFFFFFF0, v60  }
0xa5: {  	v3 =	vor.u32 v3, v4  }
0xa6: {  	v4 =	vperm.xlane v3, v0;
	_ =	sdelay $0x1  }
0xa7: {  	v3 =	vperm.xlane v3, v2;
	v4 =	vadd.s32 v1, v4;
	_ =	sdelay $0x1  }
0xa8: {  	v3 =	vadd.s32 v1, v3;
	_ =	sdelay $0x1  }
0xa9: {  	s30 =	simm.s32 $0xC800  }
0xaa: {  	[tilespmem:s30], [sflag:$0x2] =	stream.indirect_vreg.gather [hbm4b:s1+s3], $0x80, v4, vm0, $0xb8;
	[tilespmem:$0x18800] =	vst v63  }
0xab: {  	s31 =	simm.s32 $0xD000  }
0xac: {  	[tilespmem:s31], [sflag:$0x2] =	stream.indirect_vreg.gather [hbm4b:s1+s3], $0x80, v3, vm0, $0xb8;
	[tilespmem:$0x18800] =	vst v63  }
0xad: {  	v3 =	vld [tilespmem:$0xD0];
	_ =	sdelay $0x4  }
0xae: {  	v61 =	vshll.u32 v3, $0x1  }
0xaf: {  	v3 =	vand.u32 $0x7, v3;
	v4 =	vand.u32 $0xFFFFFFF0, v61  }
0xb0: {  	v3 =	vor.u32 v3, v4  }
0xb1: {  	v4 =	vperm.xlane v3, v0;
	_ =	sdelay $0x1  }
0xb2: {  	v3 =	vperm.xlane v3, v2;
	v4 =	vadd.s32 v1, v4;
	_ =	sdelay $0x1  }
0xb3: {  	v3 =	vadd.s32 v1, v3;
	_ =	sdelay $0x1  }
0xb4: {  	s11 =	simm.s32 $0xD800  }
0xb5: {  	[tilespmem:s11], [sflag:$0x2] =	stream.indirect_vreg.gather [hbm4b:s1+s3], $0x80, v4, vm0, $0xb8;
	[tilespmem:$0x18800] =	vst v63  }
0xb6: {  	s12 =	simm.s32 $0xE000  }
0xb7: {  	[tilespmem:s12], [sflag:$0x2] =	stream.indirect_vreg.gather [hbm4b:s1+s3], $0x80, v3, vm0, $0xb8;
	[tilespmem:$0x18800] =	vst v63  }
0xb8: {  	v3 =	vld [tilespmem:$0xE0];
	_ =	sdelay $0x4  }
0xb9: {  	v62 =	vshll.u32 v3, $0x1  }
0xba: {  	v3 =	vand.u32 $0x7, v3;
	v4 =	vand.u32 $0xFFFFFFF0, v62  }
0xbb: {  	v3 =	vor.u32 v3, v4  }
0xbc: {  	v4 =	vperm.xlane v3, v0;
	_ =	sdelay $0x1  }
0xbd: {  	v3 =	vperm.xlane v3, v2;
	v4 =	vadd.s32 v1, v4;
	_ =	sdelay $0x1  }
0xbe: {  	v3 =	vadd.s32 v1, v3;
	_ =	sdelay $0x1  }
0xbf: {  	s13 =	simm.s32 $0xE800  }
0xc0: {  	[tilespmem:s13], [sflag:$0x2] =	stream.indirect_vreg.gather [hbm4b:s1+s3], $0x80, v4, vm0, $0xb8;
	[tilespmem:$0x18800] =	vst v63  }
0xc1: {  	s19 =	simm.s32 $0xF000  }
0xc2: {  	[tilespmem:s19], [sflag:$0x2] =	stream.indirect_vreg.gather [hbm4b:s1+s3], $0x80, v3, vm0, $0xb8;
	[tilespmem:$0x18800] =	vst v63  }
0xc3: {  	v3 =	vld [tilespmem:$0xF0];
	_ =	sdelay $0x4  }
0xc4: {  	v63 =	vshll.u32 v3, $0x1  }
0xc5: {  	v3 =	vand.u32 $0x7, v3;
	v4 =	vand.u32 $0xFFFFFFF0, v63  }
0xc6: {  	v3 =	vor.u32 v3, v4  }
0xc7: {  	v4 =	vperm.xlane v3, v0;
	_ =	sdelay $0x1  }
0xc8: {  	v3 =	vperm.xlane v3, v2;
	v4 =	vadd.s32 v1, v4;
	_ =	sdelay $0x1  }
0xc9: {  	v3 =	vadd.s32 v1, v3;
	_ =	sdelay $0x1  }
0xca: {  	s23 =	simm.s32 $0xF800  }
0xcb: {  	[tilespmem:s23], [sflag:$0x2] =	stream.indirect_vreg.gather [hbm4b:s1+s3], $0x80, v4, vm0, $0xb8;
	[tilespmem:$0x18800] =	vst v63  }
0xcc: {  	s25 =	simm.s32 $0x10000  }
0xcd: {  	[tilespmem:s25], [sflag:$0x2] =	stream.indirect_vreg.gather [hbm4b:s1+s3], $0x80, v3, vm0, $0xb8;
	[tilespmem:$0x18800] =	vst v63  }
0xce: {  	v3 =	vld [tilespmem:$0x100];
	_ =	sdelay $0x4  }
0xcf: {  	v8 =	vshll.u32 v3, $0x1  }
0xd0: {  	v3 =	vand.u32 $0x7, v3;
	v4 =	vand.u32 $0xFFFFFFF0, v8  }
0xd1: {  	v3 =	vor.u32 v3, v4  }
0xd2: {  	v4 =	vperm.xlane v3, v0;
	_ =	sdelay $0x1  }
0xd3: {  	v3 =	vperm.xlane v3, v2;
	v4 =	vadd.s32 v1, v4;
	_ =	sdelay $0x1  }
0xd4: {  	v3 =	vadd.s32 v1, v3;
	_ =	sdelay $0x1  }
0xd5: {  	s31 =	simm.s32 $0x10800  }
0xd6: {  	[tilespmem:s31], [sflag:$0x3] =	stream.indirect_vreg.gather [hbm4b:s1+s3], $0x80, v4, vm0, $0xb8;
	[tilespmem:$0x18800] =	vst v63  }
0xd7: {  	s11 =	simm.s32 $0x11000  }
0xd8: {  	[tilespmem:s11], [sflag:$0x3] =	stream.indirect_vreg.gather [hbm4b:s1+s3], $0x80, v3, vm0, $0xb8;
	[tilespmem:$0x18800] =	vst v63  }
0xd9: {  	v3 =	vld [tilespmem:$0x110];
	_ =	sdelay $0x4  }
0xda: {  	v9 =	vshll.u32 v3, $0x1  }
0xdb: {  	v3 =	vand.u32 $0x7, v3;
	v4 =	vand.u32 $0xFFFFFFF0, v9  }
0xdc: {  	v3 =	vor.u32 v3, v4  }
0xdd: {  	v4 =	vperm.xlane v3, v0;
	_ =	sdelay $0x1  }
0xde: {  	v3 =	vperm.xlane v3, v2;
	v4 =	vadd.s32 v1, v4;
	_ =	sdelay $0x1  }
0xdf: {  	v3 =	vadd.s32 v1, v3;
	_ =	sdelay $0x1  }
0xe0: {  	s12 =	simm.s32 $0x11800  }
0xe1: {  	[tilespmem:s12], [sflag:$0x3] =	stream.indirect_vreg.gather [hbm4b:s1+s3], $0x80, v4, vm0, $0xb8;
	[tilespmem:$0x18800] =	vst v63  }
0xe2: {  	s13 =	simm.s32 $0x12000  }
0xe3: {  	[tilespmem:s13], [sflag:$0x3] =	stream.indirect_vreg.gather [hbm4b:s1+s3], $0x80, v3, vm0, $0xb8;
	[tilespmem:$0x18800] =	vst v63  }
0xe4: {  	v3 =	vld [tilespmem:$0x120];
	_ =	sdelay $0x4  }
0xe5: {  	v10 =	vshll.u32 v3, $0x1  }
0xe6: {  	v3 =	vand.u32 $0x7, v3;
	v4 =	vand.u32 $0xFFFFFFF0, v10  }
0xe7: {  	v3 =	vor.u32 v3, v4  }
0xe8: {  	v4 =	vperm.xlane v3, v0;
	_ =	sdelay $0x1  }
0xe9: {  	v3 =	vperm.xlane v3, v2;
	v4 =	vadd.s32 v1, v4;
	_ =	sdelay $0x1  }
0xea: {  	v3 =	vadd.s32 v1, v3;
	_ =	sdelay $0x1  }
0xeb: {  	s23 =	simm.s32 $0x12800  }
0xec: {  	[tilespmem:s23], [sflag:$0x3] =	stream.indirect_vreg.gather [hbm4b:s1+s3], $0x80, v4, vm0, $0xb8;
	[tilespmem:$0x18800] =	vst v63  }
0xed: {  	s25 =	simm.s32 $0x13000  }
0xee: {  	[tilespmem:s25], [sflag:$0x3] =	stream.indirect_vreg.gather [hbm4b:s1+s3], $0x80, v3, vm0, $0xb8;
	[tilespmem:$0x18800] =	vst v63  }
0xef: {  	v3 =	vld [tilespmem:$0x130];
	_ =	sdelay $0x4  }
0xf0: {  	v11 =	vshll.u32 v3, $0x1  }
0xf1: {  	v3 =	vand.u32 $0x7, v3;
	v4 =	vand.u32 $0xFFFFFFF0, v11  }
0xf2: {  	v3 =	vor.u32 v3, v4  }
0xf3: {  	v4 =	vperm.xlane v3, v0;
	_ =	sdelay $0x1  }
0xf4: {  	v3 =	vperm.xlane v3, v2;
	v4 =	vadd.s32 v1, v4;
	_ =	sdelay $0x1  }
0xf5: {  	v3 =	vadd.s32 v1, v3;
	_ =	sdelay $0x1  }
0xf6: {  	s31 =	simm.s32 $0x13800  }
0xf7: {  	[tilespmem:s31], [sflag:$0x3] =	stream.indirect_vreg.gather [hbm4b:s1+s3], $0x80, v4, vm0, $0xb8;
	[tilespmem:$0x18800] =	vst v63  }
0xf8: {  	s11 =	simm.s32 $0x14000  }
0xf9: {  	[tilespmem:s11], [sflag:$0x3] =	stream.indirect_vreg.gather [hbm4b:s1+s3], $0x80, v3, vm0, $0xb8;
	[tilespmem:$0x18800] =	vst v63  }
0xfa: {  	v3 =	vld [tilespmem:$0x140];
	_ =	sdelay $0x4  }
0xfb: {  	v12 =	vshll.u32 v3, $0x1  }
0xfc: {  	v3 =	vand.u32 $0x7, v3;
	v4 =	vand.u32 $0xFFFFFFF0, v12  }
0xfd: {  	v3 =	vor.u32 v3, v4  }
0xfe: {  	v4 =	vperm.xlane v3, v0;
	_ =	sdelay $0x1  }
0xff: {  	v3 =	vperm.xlane v3, v2;
	v4 =	vadd.s32 v1, v4;
	_ =	sdelay $0x1  }
0x100: {  	v3 =	vadd.s32 v1, v3;
	_ =	sdelay $0x1  }
0x101: {  	s12 =	simm.s32 $0x14800  }
0x102: {  	[tilespmem:s12], [sflag:$0x3] =	stream.indirect_vreg.gather [hbm4b:s1+s3], $0x80, v4, vm0, $0xb8;
	[tilespmem:$0x18800] =	vst v63  }
0x103: {  	s13 =	simm.s32 $0x15000  }
0x104: {  	[tilespmem:s13], [sflag:$0x3] =	stream.indirect_vreg.gather [hbm4b:s1+s3], $0x80, v3, vm0, $0xb8;
	[tilespmem:$0x18800] =	vst v63  }
0x105: {  	v3 =	vld [tilespmem:$0x150];
	_ =	sdelay $0x4  }
0x106: {  	v13 =	vshll.u32 v3, $0x1  }
0x107: {  	v3 =	vand.u32 $0x7, v3;
	v4 =	vand.u32 $0xFFFFFFF0, v13  }
0x108: {  	v3 =	vor.u32 v3, v4  }
0x109: {  	v4 =	vperm.xlane v3, v0;
	_ =	sdelay $0x1  }
0x10a: {  	v3 =	vperm.xlane v3, v2;
	v4 =	vadd.s32 v1, v4;
	_ =	sdelay $0x1  }
0x10b: {  	v3 =	vadd.s32 v1, v3;
	_ =	sdelay $0x1  }
0x10c: {  	s23 =	simm.s32 $0x15800  }
0x10d: {  	[tilespmem:s23], [sflag:$0x3] =	stream.indirect_vreg.gather [hbm4b:s1+s3], $0x80, v4, vm0, $0xb8;
	[tilespmem:$0x18800] =	vst v63  }
0x10e: {  	s25 =	simm.s32 $0x16000  }
0x10f: {  	[tilespmem:s25], [sflag:$0x3] =	stream.indirect_vreg.gather [hbm4b:s1+s3], $0x80, v3, vm0, $0xb8;
	[tilespmem:$0x18800] =	vst v63  }
0x110: {  	v3 =	vld [tilespmem:$0x160];
	_ =	sdelay $0x4  }
0x111: {  	v14 =	vshll.u32 v3, $0x1  }
0x112: {  	v3 =	vand.u32 $0x7, v3;
	v4 =	vand.u32 $0xFFFFFFF0, v14  }
0x113: {  	v3 =	vor.u32 v3, v4  }
0x114: {  	v4 =	vperm.xlane v3, v0;
	_ =	sdelay $0x1  }
0x115: {  	v3 =	vperm.xlane v3, v2;
	v4 =	vadd.s32 v1, v4;
	_ =	sdelay $0x1  }
0x116: {  	v3 =	vadd.s32 v1, v3;
	_ =	sdelay $0x1  }
0x117: {  	s31 =	simm.s32 $0x16800  }
0x118: {  	[tilespmem:s31], [sflag:$0x3] =	stream.indirect_vreg.gather [hbm4b:s1+s3], $0x80, v4, vm0, $0xb8;
	[tilespmem:$0x18800] =	vst v63  }
0x119: {  	s11 =	simm.s32 $0x17000  }
0x11a: {  	[tilespmem:s11], [sflag:$0x3] =	stream.indirect_vreg.gather [hbm4b:s1+s3], $0x80, v3, vm0, $0xb8;
	[tilespmem:$0x18800] =	vst v63  }
0x11b: {  	v3 =	vld [tilespmem:$0x170];
	_ =	sdelay $0x4  }
0x11c: {  	v15 =	vshll.u32 v3, $0x1  }
0x11d: {  	v3 =	vand.u32 $0x7, v3;
	v4 =	vand.u32 $0xFFFFFFF0, v15  }
0x11e: {  	v3 =	vor.u32 v3, v4  }
0x11f: {  	v4 =	vperm.xlane v3, v0;
	_ =	sdelay $0x1  }
0x120: {  	v3 =	vperm.xlane v3, v2;
	v4 =	vadd.s32 v1, v4;
	_ =	sdelay $0x1  }
0x121: {  	v3 =	vadd.s32 v1, v3;
	_ =	sdelay $0x1  }
0x122: {  	s12 =	simm.s32 $0x17800  }
0x123: {  	[tilespmem:s12], [sflag:$0x3] =	stream.indirect_vreg.gather [hbm4b:s1+s3], $0x80, v4, vm0, $0xb8;
	[tilespmem:$0x18800] =	vst v63  }
0x124: {  	s13 =	simm.s32 $0x18000  }
0x125: {  	[tilespmem:s13], [sflag:$0x3] =	stream.indirect_vreg.gather [hbm4b:s1+s3], $0x80, v3, vm0, $0xb8;
	[tilespmem:$0x18800] =	vst v63  }
0x126: {  	_ =	swait.ge [sflag:s6], $0x8000  }
0x127: {  	[sflag:s6] =	ssyncset.done $0x0  }
0x128: {  	s25 =	simm.s32 $0x800;
	s23 =	rddreg [dreg:$0x14];
	[sflag:s6] =	ssyncadd.s32 $0xFFFF8000  }
0x129: {  	[hbm4b:s23+s3] =	stream.linear.scatter [tilespmem:s25], [sflag:$0x4], $0x8000, $0x38;
	[tilespmem:$0x18800] =	vst v63  }
0x12a: {  	_ =	swait.ge [sflag:s24], $0x8000  }
0x12b: {  	[sflag:s24] =	ssyncset.done $0x0  }
0x12c: {  	[sflag:s24] =	ssyncadd.s32 $0xFFFF8000  }
0x12d: {  	v3 =	vld [tilespmem:$0x180];
	_ =	sdelay $0x4  }
0x12e: {  	v16 =	vshll.u32 v3, $0x1  }
0x12f: {  	v3 =	vand.u32 $0x7, v3;
	v4 =	vand.u32 $0xFFFFFFF0, v16  }
0x130: {  	v3 =	vor.u32 v3, v4  }
0x131: {  	v4 =	vperm.xlane v3, v0;
	_ =	sdelay $0x1  }
0x132: {  	v3 =	vperm.xlane v3, v2;
	v4 =	vadd.s32 v1, v4;
	_ =	sdelay $0x1  }
0x133: {  	v3 =	vadd.s32 v1, v3;
	_ =	sdelay $0x2  }
0x134: {  	[tilespmem:s25], [sflag:$0x1] =	stream.indirect_vreg.gather [hbm4b:s1+s3], $0x80, v4, vm0, $0xb8;
	[tilespmem:$0x18800] =	vst v63  }
0x135: {  	s2 =	simm.s32 $0x1000  }
0x136: {  	[tilespmem:s2], [sflag:$0x1] =	stream.indirect_vreg.gather [hbm4b:s1+s3], $0x80, v3, vm0, $0xb8;
	[tilespmem:$0x18800] =	vst v63  }
0x137: {  	v3 =	vld [tilespmem:$0x190];
	_ =	sdelay $0x4  }
0x138: {  	v17 =	vshll.u32 v3, $0x1  }
0x139: {  	v3 =	vand.u32 $0x7, v3;
	v4 =	vand.u32 $0xFFFFFFF0, v17  }
0x13a: {  	v3 =	vor.u32 v3, v4  }
0x13b: {  	v4 =	vperm.xlane v3, v0;
	_ =	sdelay $0x1  }
0x13c: {  	v3 =	vperm.xlane v3, v2;
	v4 =	vadd.s32 v1, v4;
	_ =	sdelay $0x1  }
0x13d: {  	v3 =	vadd.s32 v1, v3;
	_ =	sdelay $0x1  }
0x13e: {  	s0 =	simm.s32 $0x1800  }
0x13f: {  	[tilespmem:s0], [sflag:$0x1] =	stream.indirect_vreg.gather [hbm4b:s1+s3], $0x80, v4, vm0, $0xb8;
	[tilespmem:$0x18800] =	vst v63  }
0x140: {  	s4 =	simm.s32 $0x2000  }
0x141: {  	[tilespmem:s4], [sflag:$0x1] =	stream.indirect_vreg.gather [hbm4b:s1+s3], $0x80, v3, vm0, $0xb8;
	[tilespmem:$0x18800] =	vst v63  }
0x142: {  	v3 =	vld [tilespmem:$0x1A0];
	_ =	sdelay $0x4  }
0x143: {  	v18 =	vshll.u32 v3, $0x1  }
0x144: {  	v3 =	vand.u32 $0x7, v3;
	v4 =	vand.u32 $0xFFFFFFF0, v18  }
0x145: {  	v3 =	vor.u32 v3, v4  }
0x146: {  	v4 =	vperm.xlane v3, v0;
	_ =	sdelay $0x1  }
0x147: {  	v3 =	vperm.xlane v3, v2;
	v4 =	vadd.s32 v1, v4;
	_ =	sdelay $0x1  }
0x148: {  	v3 =	vadd.s32 v1, v3;
	_ =	sdelay $0x1  }
0x149: {  	s25 =	simm.s32 $0x2800  }
0x14a: {  	[tilespmem:s25], [sflag:$0x1] =	stream.indirect_vreg.gather [hbm4b:s1+s3], $0x80, v4, vm0, $0xb8;
	[tilespmem:$0x18800] =	vst v63  }
0x14b: {  	s8 =	simm.s32 $0x3000  }
0x14c: {  	[tilespmem:s8], [sflag:$0x1] =	stream.indirect_vreg.gather [hbm4b:s1+s3], $0x80, v3, vm0, $0xb8;
	[tilespmem:$0x18800] =	vst v63  }
0x14d: {  	v3 =	vld [tilespmem:$0x1B0];
	_ =	sdelay $0x4  }
0x14e: {  	v19 =	vshll.u32 v3, $0x1  }
0x14f: {  	v3 =	vand.u32 $0x7, v3;
	v4 =	vand.u32 $0xFFFFFFF0, v19  }
0x150: {  	v3 =	vor.u32 v3, v4  }
0x151: {  	v4 =	vperm.xlane v3, v0;
	_ =	sdelay $0x1  }
0x152: {  	v3 =	vperm.xlane v3, v2;
	v4 =	vadd.s32 v1, v4;
	_ =	sdelay $0x1  }
0x153: {  	v3 =	vadd.s32 v1, v3;
	_ =	sdelay $0x1  }
0x154: {  	s4 =	simm.s32 $0x3800  }
0x155: {  	[tilespmem:s4], [sflag:$0x1] =	stream.indirect_vreg.gather [hbm4b:s1+s3], $0x80, v4, vm0, $0xb8;
	[tilespmem:$0x18800] =	vst v63  }
0x156: {  	s9 =	simm.s32 $0x4000  }
0x157: {  	[tilespmem:s9], [sflag:$0x1] =	stream.indirect_vreg.gather [hbm4b:s1+s3], $0x80, v3, vm0, $0xb8;
	[tilespmem:$0x18800] =	vst v63  }
0x158: {  	v3 =	vld [tilespmem:$0x1C0];
	_ =	sdelay $0x4  }
0x159: {  	v20 =	vshll.u32 v3, $0x1  }
0x15a: {  	v3 =	vand.u32 $0x7, v3;
	v4 =	vand.u32 $0xFFFFFFF0, v20  }
0x15b: {  	v3 =	vor.u32 v3, v4  }
0x15c: {  	v4 =	vperm.xlane v3, v0;
	_ =	sdelay $0x1  }
0x15d: {  	v3 =	vperm.xlane v3, v2;
	v4 =	vadd.s32 v1, v4;
	_ =	sdelay $0x1  }
0x15e: {  	v3 =	vadd.s32 v1, v3;
	_ =	sdelay $0x1  }
0x15f: {  	s23 =	simm.s32 $0x4800  }
0x160: {  	[tilespmem:s23], [sflag:$0x1] =	stream.indirect_vreg.gather [hbm4b:s1+s3], $0x80, v4, vm0, $0xb8;
	[tilespmem:$0x18800] =	vst v63  }
0x161: {  	s10 =	simm.s32 $0x5000  }
0x162: {  	[tilespmem:s10], [sflag:$0x1] =	stream.indirect_vreg.gather [hbm4b:s1+s3], $0x80, v3, vm0, $0xb8;
	[tilespmem:$0x18800] =	vst v63  }
0x163: {  	v3 =	vld [tilespmem:$0x1D0];
	_ =	sdelay $0x4  }
0x164: {  	v21 =	vshll.u32 v3, $0x1  }
0x165: {  	v3 =	vand.u32 $0x7, v3;
	v4 =	vand.u32 $0xFFFFFFF0, v21  }
0x166: {  	v3 =	vor.u32 v3, v4  }
0x167: {  	v4 =	vperm.xlane v3, v0;
	_ =	sdelay $0x1  }
0x168: {  	v3 =	vperm.xlane v3, v2;
	v4 =	vadd.s32 v1, v4;
	_ =	sdelay $0x1  }
0x169: {  	v3 =	vadd.s32 v1, v3;
	_ =	sdelay $0x1  }
0x16a: {  	s8 =	simm.s32 $0x5800  }
0x16b: {  	[tilespmem:s8], [sflag:$0x1] =	stream.indirect_vreg.gather [hbm4b:s1+s3], $0x80, v4, vm0, $0xb8;
	[tilespmem:$0x18800] =	vst v63  }
0x16c: {  	s11 =	simm.s32 $0x6000  }
0x16d: {  	[tilespmem:s11], [sflag:$0x1] =	stream.indirect_vreg.gather [hbm4b:s1+s3], $0x80, v3, vm0, $0xb8;
	[tilespmem:$0x18800] =	vst v63  }
0x16e: {  	v3 =	vld [tilespmem:$0x1E0];
	_ =	sdelay $0x4  }
0x16f: {  	v22 =	vshll.u32 v3, $0x1  }
0x170: {  	v3 =	vand.u32 $0x7, v3;
	v4 =	vand.u32 $0xFFFFFFF0, v22  }
0x171: {  	v3 =	vor.u32 v3, v4  }
0x172: {  	v4 =	vperm.xlane v3, v0;
	_ =	sdelay $0x1  }
0x173: {  	v3 =	vperm.xlane v3, v2;
	v4 =	vadd.s32 v1, v4;
	_ =	sdelay $0x1  }
0x174: {  	v3 =	vadd.s32 v1, v3;
	_ =	sdelay $0x1  }
0x175: {  	s9 =	simm.s32 $0x6800  }
0x176: {  	[tilespmem:s9], [sflag:$0x1] =	stream.indirect_vreg.gather [hbm4b:s1+s3], $0x80, v4, vm0, $0xb8;
	[tilespmem:$0x18800] =	vst v63  }
0x177: {  	s12 =	simm.s32 $0x7000  }
0x178: {  	[tilespmem:s12], [sflag:$0x1] =	stream.indirect_vreg.gather [hbm4b:s1+s3], $0x80, v3, vm0, $0xb8;
	[tilespmem:$0x18800] =	vst v63  }
0x179: {  	v3 =	vld [tilespmem:$0x1F0];
	_ =	sdelay $0x4  }
0x17a: {  	v23 =	vshll.u32 v3, $0x1  }
0x17b: {  	v3 =	vand.u32 $0x7, v3;
	v4 =	vand.u32 $0xFFFFFFF0, v23  }
0x17c: {  	v3 =	vor.u32 v3, v4  }
0x17d: {  	v4 =	vperm.xlane v3, v0;
	_ =	sdelay $0x1  }
0x17e: {  	v3 =	vperm.xlane v3, v2;
	v4 =	vadd.s32 v1, v4;
	_ =	sdelay $0x1  }
0x17f: {  	v3 =	vadd.s32 v1, v3;
	_ =	sdelay $0x1  }
0x180: {  	s10 =	simm.s32 $0x7800  }
0x181: {  	[tilespmem:s10], [sflag:$0x1] =	stream.indirect_vreg.gather [hbm4b:s1+s3], $0x80, v4, vm0, $0xb8;
	[tilespmem:$0x18800] =	vst v63  }
0x182: {  	s17 =	simm.s32 $0x8000  }
0x183: {  	[tilespmem:s17], [sflag:$0x1] =	stream.indirect_vreg.gather [hbm4b:s1+s3], $0x80, v3, vm0, $0xb8;
	[tilespmem:$0x18800] =	vst v63  }
0x184: {  	_ =	swait.ge [sflag:s26], $0x8000  }
0x185: {  	[sflag:s26] =	ssyncset.done $0x0  }
0x186: {  	s13 =	simm.s32 $0x8800;
	s2 =	rddreg [dreg:$0x5];
	[sflag:s26] =	ssyncadd.s32 $0xFFFF8000  }
0x187: {  	[hbm4b:s2+s3] =	stream.linear.scatter [tilespmem:s13], [sflag:$0x5], $0x8000, $0x38;
	[tilespmem:$0x18800] =	vst v63  }
0x188: {  	_ =	swait.ge [sflag:s28], $0x8000  }
0x189: {  	[sflag:s28] =	ssyncset.done $0x0  }
0x18a: {  	[sflag:s28] =	ssyncadd.s32 $0xFFFF8000  }
0x18b: {  	v3 =	vld [tilespmem:$0x200];
	_ =	sdelay $0x4  }
0x18c: {  	v24 =	vshll.u32 v3, $0x1  }
0x18d: {  	v3 =	vand.u32 $0x7, v3;
	v4 =	vand.u32 $0xFFFFFFF0, v24  }
0x18e: {  	v3 =	vor.u32 v3, v4  }
0x18f: {  	v4 =	vperm.xlane v3, v0;
	_ =	sdelay $0x1  }
0x190: {  	v3 =	vperm.xlane v3, v2;
	v4 =	vadd.s32 v1, v4;
	_ =	sdelay $0x1  }
0x191: {  	v3 =	vadd.s32 v1, v3;
	_ =	sdelay $0x2  }
0x192: {  	[tilespmem:s13], [sflag:$0x2] =	stream.indirect_vreg.gather [hbm4b:s1+s3], $0x80, v4, vm0, $0xb8;
	[tilespmem:$0x18800] =	vst v63  }
0x193: {  	s7 =	simm.s32 $0x9000  }
0x194: {  	[tilespmem:s7], [sflag:$0x2] =	stream.indirect_vreg.gather [hbm4b:s1+s3], $0x80, v3, vm0, $0xb8;
	[tilespmem:$0x18800] =	vst v63  }
0x195: {  	v3 =	vld [tilespmem:$0x210];
	_ =	sdelay $0x4  }
0x196: {  	v25 =	vshll.u32 v3, $0x1  }
0x197: {  	v3 =	vand.u32 $0x7, v3;
	v4 =	vand.u32 $0xFFFFFFF0, v25  }
0x198: {  	v3 =	vor.u32 v3, v4  }
0x199: {  	v4 =	vperm.xlane v3, v0;
	_ =	sdelay $0x1  }
0x19a: {  	v3 =	vperm.xlane v3, v2;
	v4 =	vadd.s32 v1, v4;
	_ =	sdelay $0x1  }
0x19b: {  	v3 =	vadd.s32 v1, v3;
	_ =	sdelay $0x1  }
0x19c: {  	s22 =	simm.s32 $0x9800  }
0x19d: {  	[tilespmem:s22], [sflag:$0x2] =	stream.indirect_vreg.gather [hbm4b:s1+s3], $0x80, v4, vm0, $0xb8;
	[tilespmem:$0x18800] =	vst v63  }
0x19e: {  	s5 =	simm.s32 $0xA000  }
0x19f: {  	[tilespmem:s5], [sflag:$0x2] =	stream.indirect_vreg.gather [hbm4b:s1+s3], $0x80, v3, vm0, $0xb8;
	[tilespmem:$0x18800] =	vst v63  }
0x1a0: {  	v3 =	vld [tilespmem:$0x220];
	_ =	sdelay $0x4  }
0x1a1: {  	v26 =	vshll.u32 v3, $0x1  }
0x1a2: {  	v3 =	vand.u32 $0x7, v3;
	v4 =	vand.u32 $0xFFFFFFF0, v26  }
0x1a3: {  	v3 =	vor.u32 v3, v4  }
0x1a4: {  	v4 =	vperm.xlane v3, v0;
	_ =	sdelay $0x1  }
0x1a5: {  	v3 =	vperm.xlane v3, v2;
	v4 =	vadd.s32 v1, v4;
	_ =	sdelay $0x1  }
0x1a6: {  	v3 =	vadd.s32 v1, v3;
	_ =	sdelay $0x1  }
0x1a7: {  	s13 =	simm.s32 $0xA800  }
0x1a8: {  	[tilespmem:s13], [sflag:$0x2] =	stream.indirect_vreg.gather [hbm4b:s1+s3], $0x80, v4, vm0, $0xb8;
	[tilespmem:$0x18800] =	vst v63  }
0x1a9: {  	s14 =	simm.s32 $0xB000  }
0x1aa: {  	[tilespmem:s14], [sflag:$0x2] =	stream.indirect_vreg.gather [hbm4b:s1+s3], $0x80, v3, vm0, $0xb8;
	[tilespmem:$0x18800] =	vst v63  }
0x1ab: {  	v3 =	vld [tilespmem:$0x230];
	_ =	sdelay $0x4  }
0x1ac: {  	v27 =	vshll.u32 v3, $0x1  }
0x1ad: {  	v3 =	vand.u32 $0x7, v3;
	v4 =	vand.u32 $0xFFFFFFF0, v27  }
0x1ae: {  	v3 =	vor.u32 v3, v4  }
0x1af: {  	v4 =	vperm.xlane v3, v0;
	_ =	sdelay $0x1  }
0x1b0: {  	v3 =	vperm.xlane v3, v2;
	v4 =	vadd.s32 v1, v4;
	_ =	sdelay $0x1  }
0x1b1: {  	v3 =	vadd.s32 v1, v3;
	_ =	sdelay $0x1  }
0x1b2: {  	s17 =	simm.s32 $0xB800  }
0x1b3: {  	[tilespmem:s17], [sflag:$0x2] =	stream.indirect_vreg.gather [hbm4b:s1+s3], $0x80, v4, vm0, $0xb8;
	[tilespmem:$0x18800] =	vst v63  }
0x1b4: {  	s15 =	simm.s32 $0xC000  }
0x1b5: {  	[tilespmem:s15], [sflag:$0x2] =	stream.indirect_vreg.gather [hbm4b:s1+s3], $0x80, v3, vm0, $0xb8;
	[tilespmem:$0x18800] =	vst v63  }
0x1b6: {  	v3 =	vld [tilespmem:$0x240];
	_ =	sdelay $0x4  }
0x1b7: {  	v28 =	vshll.u32 v3, $0x1  }
0x1b8: {  	v3 =	vand.u32 $0x7, v3;
	v4 =	vand.u32 $0xFFFFFFF0, v28  }
0x1b9: {  	v3 =	vor.u32 v3, v4  }
0x1ba: {  	v4 =	vperm.xlane v3, v0;
	_ =	sdelay $0x1  }
0x1bb: {  	v3 =	vperm.xlane v3, v2;
	v4 =	vadd.s32 v1, v4;
	_ =	sdelay $0x1  }
0x1bc: {  	v3 =	vadd.s32 v1, v3;
	_ =	sdelay $0x1  }
0x1bd: {  	s20 =	simm.s32 $0xC800  }
0x1be: {  	[tilespmem:s20], [sflag:$0x2] =	stream.indirect_vreg.gather [hbm4b:s1+s3], $0x80, v4, vm0, $0xb8;
	[tilespmem:$0x18800] =	vst v63  }
0x1bf: {  	s16 =	simm.s32 $0xD000  }
0x1c0: {  	[tilespmem:s16], [sflag:$0x2] =	stream.indirect_vreg.gather [hbm4b:s1+s3], $0x80, v3, vm0, $0xb8;
	[tilespmem:$0x18800] =	vst v63  }
0x1c1: {  	v3 =	vld [tilespmem:$0x250];
	_ =	sdelay $0x4  }
0x1c2: {  	v29 =	vshll.u32 v3, $0x1  }
0x1c3: {  	v3 =	vand.u32 $0x7, v3;
	v4 =	vand.u32 $0xFFFFFFF0, v29  }
0x1c4: {  	v3 =	vor.u32 v3, v4  }
0x1c5: {  	v4 =	vperm.xlane v3, v0;
	_ =	sdelay $0x1  }
0x1c6: {  	v3 =	vperm.xlane v3, v2;
	v4 =	vadd.s32 v1, v4;
	_ =	sdelay $0x1  }
0x1c7: {  	v3 =	vadd.s32 v1, v3;
	_ =	sdelay $0x1  }
0x1c8: {  	s21 =	simm.s32 $0xD800  }
0x1c9: {  	[tilespmem:s21], [sflag:$0x2] =	stream.indirect_vreg.gather [hbm4b:s1+s3], $0x80, v4, vm0, $0xb8;
	[tilespmem:$0x18800] =	vst v63  }
0x1ca: {  	s18 =	simm.s32 $0xE000  }
0x1cb: {  	[tilespmem:s18], [sflag:$0x2] =	stream.indirect_vreg.gather [hbm4b:s1+s3], $0x80, v3, vm0, $0xb8;
	[tilespmem:$0x18800] =	vst v63  }
0x1cc: {  	v3 =	vld [tilespmem:$0x260];
	_ =	sdelay $0x4  }
0x1cd: {  	v30 =	vshll.u32 v3, $0x1  }
0x1ce: {  	v3 =	vand.u32 $0x7, v3;
	v4 =	vand.u32 $0xFFFFFFF0, v30  }
0x1cf: {  	v3 =	vor.u32 v3, v4  }
0x1d0: {  	v4 =	vperm.xlane v3, v0;
	_ =	sdelay $0x1  }
0x1d1: {  	v3 =	vperm.xlane v3, v2;
	v4 =	vadd.s32 v1, v4;
	_ =	sdelay $0x1  }
0x1d2: {  	v3 =	vadd.s32 v1, v3;
	_ =	sdelay $0x1  }
0x1d3: {  	s7 =	simm.s32 $0xE800  }
0x1d4: {  	[tilespmem:s7], [sflag:$0x2] =	stream.indirect_vreg.gather [hbm4b:s1+s3], $0x80, v4, vm0, $0xb8;
	[tilespmem:$0x18800] =	vst v63  }
0x1d5: {  	s30 =	simm.s32 $0xF000  }
0x1d6: {  	[tilespmem:s30], [sflag:$0x2] =	stream.indirect_vreg.gather [hbm4b:s1+s3], $0x80, v3, vm0, $0xb8;
	[tilespmem:$0x18800] =	vst v63  }
0x1d7: {  	v3 =	vld [tilespmem:$0x270];
	_ =	sdelay $0x4  }
0x1d8: {  	v31 =	vshll.u32 v3, $0x1  }
0x1d9: {  	v3 =	vand.u32 $0x7, v3;
	v4 =	vand.u32 $0xFFFFFFF0, v31  }
0x1da: {  	v3 =	vor.u32 v3, v4  }
0x1db: {  	v4 =	vperm.xlane v3, v0;
	_ =	sdelay $0x1  }
0x1dc: {  	v3 =	vperm.xlane v3, v2;
	v4 =	vadd.s32 v1, v4;
	_ =	sdelay $0x1  }
0x1dd: {  	v3 =	vadd.s32 v1, v3;
	_ =	sdelay $0x1  }
0x1de: {  	s29 =	simm.s32 $0xF800  }
0x1df: {  	[tilespmem:s29], [sflag:$0x2] =	stream.indirect_vreg.gather [hbm4b:s1+s3], $0x80, v4, vm0, $0xb8;
	[tilespmem:$0x18800] =	vst v63  }
0x1e0: {  	s19 =	simm.s32 $0x10000;
	s30 =	simm.s32 $0x3  }
0x1e1: {  	[tilespmem:s19], [sflag:$0x2] =	stream.indirect_vreg.gather [hbm4b:s1+s3], $0x80, v3, vm0, $0xb8;
	[tilespmem:$0x18800] =	vst v63  }
0x1e2: {  	_ =	swait.ge [sflag:s30], $0x8000  }
0x1e3: {  	s2 =	simm.s32 $0x6;
	[sflag:s30] =	ssyncset.done $0x0  }
0x1e4: {  	s19 =	simm.s32 $0x10800;
	s18 =	rddreg [dreg:$0x6];
	[sflag:s30] =	ssyncadd.s32 $0xFFFF8000  }
0x1e5: {  	[hbm4b:s18+s3] =	stream.linear.scatter [tilespmem:s19], [sflag:$0x6], $0x8000, $0x38;
	[tilespmem:$0x18800] =	vst v63  }
0x1e6: {  	_ =	swait.ge [sflag:s2], $0x8000  }
0x1e7: {  	[sflag:s2] =	ssyncset.done $0x0  }
0x1e8: {  	[sflag:s2] =	ssyncadd.s32 $0xFFFF8000  }
0x1e9: {  	v3 =	vld [tilespmem:$0x280];
	_ =	sdelay $0x4  }
0x1ea: {  	v32 =	vshll.u32 v3, $0x1  }
0x1eb: {  	v3 =	vand.u32 $0x7, v3;
	v4 =	vand.u32 $0xFFFFFFF0, v32  }
0x1ec: {  	v3 =	vor.u32 v3, v4  }
0x1ed: {  	v4 =	vperm.xlane v3, v0;
	_ =	sdelay $0x1  }
0x1ee: {  	v3 =	vperm.xlane v3, v2;
	v4 =	vadd.s32 v1, v4;
	_ =	sdelay $0x1  }
0x1ef: {  	v3 =	vadd.s32 v1, v3;
	_ =	sdelay $0x2  }
0x1f0: {  	[tilespmem:s19], [sflag:$0x3] =	stream.indirect_vreg.gather [hbm4b:s1+s3], $0x80, v4, vm0, $0xb8;
	[tilespmem:$0x18800] =	vst v63  }
0x1f1: {  	s20 =	simm.s32 $0x11000  }
0x1f2: {  	[tilespmem:s20], [sflag:$0x3] =	stream.indirect_vreg.gather [hbm4b:s1+s3], $0x80, v3, vm0, $0xb8;
	[tilespmem:$0x18800] =	vst v63  }
0x1f3: {  	v3 =	vld [tilespmem:$0x290];
	_ =	sdelay $0x4  }
0x1f4: {  	v33 =	vshll.u32 v3, $0x1  }
0x1f5: {  	v3 =	vand.u32 $0x7, v3;
	v4 =	vand.u32 $0xFFFFFFF0, v33  }
0x1f6: {  	v3 =	vor.u32 v3, v4  }
0x1f7: {  	v4 =	vperm.xlane v3, v0;
	_ =	sdelay $0x1  }
0x1f8: {  	v3 =	vperm.xlane v3, v2;
	v4 =	vadd.s32 v1, v4;
	_ =	sdelay $0x1  }
0x1f9: {  	v3 =	vadd.s32 v1, v3;
	_ =	sdelay $0x1  }
0x1fa: {  	s19 =	simm.s32 $0x11800  }
0x1fb: {  	[tilespmem:s19], [sflag:$0x3] =	stream.indirect_vreg.gather [hbm4b:s1+s3], $0x80, v4, vm0, $0xb8;
	[tilespmem:$0x18800] =	vst v63  }
0x1fc: {  	s21 =	simm.s32 $0x12000  }
0x1fd: {  	[tilespmem:s21], [sflag:$0x3] =	stream.indirect_vreg.gather [hbm4b:s1+s3], $0x80, v3, vm0, $0xb8;
	[tilespmem:$0x18800] =	vst v63  }
0x1fe: {  	v3 =	vld [tilespmem:$0x2A0];
	_ =	sdelay $0x4  }
0x1ff: {  	v34 =	vshll.u32 v3, $0x1  }
0x200: {  	v3 =	vand.u32 $0x7, v3;
	v4 =	vand.u32 $0xFFFFFFF0, v34  }
0x201: {  	v3 =	vor.u32 v3, v4  }
0x202: {  	v4 =	vperm.xlane v3, v0;
	_ =	sdelay $0x1  }
0x203: {  	v3 =	vperm.xlane v3, v2;
	v4 =	vadd.s32 v1, v4;
	_ =	sdelay $0x1  }
0x204: {  	v3 =	vadd.s32 v1, v3;
	_ =	sdelay $0x1  }
0x205: {  	s20 =	simm.s32 $0x12800  }
0x206: {  	[tilespmem:s20], [sflag:$0x3] =	stream.indirect_vreg.gather [hbm4b:s1+s3], $0x80, v4, vm0, $0xb8;
	[tilespmem:$0x18800] =	vst v63  }
0x207: {  	s22 =	simm.s32 $0x13000  }
0x208: {  	[tilespmem:s22], [sflag:$0x3] =	stream.indirect_vreg.gather [hbm4b:s1+s3], $0x80, v3, vm0, $0xb8;
	[tilespmem:$0x18800] =	vst v63  }
0x209: {  	v3 =	vld [tilespmem:$0x2B0];
	_ =	sdelay $0x4  }
0x20a: {  	v35 =	vshll.u32 v3, $0x1  }
0x20b: {  	v3 =	vand.u32 $0x7, v3;
	v4 =	vand.u32 $0xFFFFFFF0, v35  }
0x20c: {  	v3 =	vor.u32 v3, v4  }
0x20d: {  	v4 =	vperm.xlane v3, v0;
	_ =	sdelay $0x1  }
0x20e: {  	v3 =	vperm.xlane v3, v2;
	v4 =	vadd.s32 v1, v4;
	_ =	sdelay $0x1  }
0x20f: {  	v3 =	vadd.s32 v1, v3;
	_ =	sdelay $0x1  }
0x210: {  	s21 =	simm.s32 $0x13800  }
0x211: {  	[tilespmem:s21], [sflag:$0x3] =	stream.indirect_vreg.gather [hbm4b:s1+s3], $0x80, v4, vm0, $0xb8;
	[tilespmem:$0x18800] =	vst v63  }
0x212: {  	s29 =	simm.s32 $0x14000  }
0x213: {  	[tilespmem:s29], [sflag:$0x3] =	stream.indirect_vreg.gather [hbm4b:s1+s3], $0x80, v3, vm0, $0xb8;
	[tilespmem:$0x18800] =	vst v63  }
0x214: {  	v3 =	vld [tilespmem:$0x2C0];
	_ =	sdelay $0x4  }
0x215: {  	v36 =	vshll.u32 v3, $0x1  }
0x216: {  	v3 =	vand.u32 $0x7, v3;
	v4 =	vand.u32 $0xFFFFFFF0, v36  }
0x217: {  	v3 =	vor.u32 v3, v4  }
0x218: {  	v4 =	vperm.xlane v3, v0;
	_ =	sdelay $0x1  }
0x219: {  	v3 =	vperm.xlane v3, v2;
	v4 =	vadd.s32 v1, v4;
	_ =	sdelay $0x1  }
0x21a: {  	v3 =	vadd.s32 v1, v3;
	_ =	sdelay $0x1  }
0x21b: {  	s22 =	simm.s32 $0x14800  }
0x21c: {  	[tilespmem:s22], [sflag:$0x3] =	stream.indirect_vreg.gather [hbm4b:s1+s3], $0x80, v4, vm0, $0xb8;
	[tilespmem:$0x18800] =	vst v63  }
0x21d: {  	s17 =	simm.s32 $0x15000  }
0x21e: {  	[tilespmem:s17], [sflag:$0x3] =	stream.indirect_vreg.gather [hbm4b:s1+s3], $0x80, v3, vm0, $0xb8;
	[tilespmem:$0x18800] =	vst v63  }
0x21f: {  	v3 =	vld [tilespmem:$0x2D0];
	_ =	sdelay $0x4  }
0x220: {  	v37 =	vshll.u32 v3, $0x1  }
0x221: {  	v3 =	vand.u32 $0x7, v3;
	v4 =	vand.u32 $0xFFFFFFF0, v37  }
0x222: {  	v3 =	vor.u32 v3, v4  }
0x223: {  	v4 =	vperm.xlane v3, v0;
	_ =	sdelay $0x1  }
0x224: {  	v3 =	vperm.xlane v3, v2;
	v4 =	vadd.s32 v1, v4;
	_ =	sdelay $0x1  }
0x225: {  	v3 =	vadd.s32 v1, v3;
	_ =	sdelay $0x1  }
0x226: {  	s14 =	simm.s32 $0x15800  }
0x227: {  	[tilespmem:s14], [sflag:$0x3] =	stream.indirect_vreg.gather [hbm4b:s1+s3], $0x80, v4, vm0, $0xb8;
	[tilespmem:$0x18800] =	vst v63  }
0x228: {  	s18 =	simm.s32 $0x16000  }
0x229: {  	[tilespmem:s18], [sflag:$0x3] =	stream.indirect_vreg.gather [hbm4b:s1+s3], $0x80, v3, vm0, $0xb8;
	[tilespmem:$0x18800] =	vst v63  }
0x22a: {  	v3 =	vld [tilespmem:$0x2E0];
	_ =	sdelay $0x4  }
0x22b: {  	v38 =	vshll.u32 v3, $0x1  }
0x22c: {  	v3 =	vand.u32 $0x7, v3;
	v4 =	vand.u32 $0xFFFFFFF0, v38  }
0x22d: {  	v3 =	vor.u32 v3, v4  }
0x22e: {  	v4 =	vperm.xlane v3, v0;
	_ =	sdelay $0x1  }
0x22f: {  	v3 =	vperm.xlane v3, v2;
	v4 =	vadd.s32 v1, v4;
	_ =	sdelay $0x1  }
0x230: {  	v3 =	vadd.s32 v1, v3;
	_ =	sdelay $0x1  }
0x231: {  	s15 =	simm.s32 $0x16800  }
0x232: {  	[tilespmem:s15], [sflag:$0x3] =	stream.indirect_vreg.gather [hbm4b:s1+s3], $0x80, v4, vm0, $0xb8;
	[tilespmem:$0x18800] =	vst v63  }
0x233: {  	s13 =	simm.s32 $0x17000  }
0x234: {  	[tilespmem:s13], [sflag:$0x3] =	stream.indirect_vreg.gather [hbm4b:s1+s3], $0x80, v3, vm0, $0xb8;
	[tilespmem:$0x18800] =	vst v63  }
0x235: {  	v3 =	vld [tilespmem:$0x2F0];
	_ =	sdelay $0x4  }
0x236: {  	v39 =	vshll.u32 v3, $0x1  }
0x237: {  	v3 =	vand.u32 $0x7, v3;
	v4 =	vand.u32 $0xFFFFFFF0, v39  }
0x238: {  	v3 =	vor.u32 v3, v4  }
0x239: {  	v4 =	vperm.xlane v3, v0;
	_ =	sdelay $0x1  }
0x23a: {  	v3 =	vperm.xlane v3, v2;
	v4 =	vadd.s32 v1, v4;
	_ =	sdelay $0x1  }
0x23b: {  	v3 =	vadd.s32 v1, v3;
	_ =	sdelay $0x1  }
0x23c: {  	s16 =	simm.s32 $0x17800  }
0x23d: {  	[tilespmem:s16], [sflag:$0x3] =	stream.indirect_vreg.gather [hbm4b:s1+s3], $0x80, v4, vm0, $0xb8;
	[tilespmem:$0x18800] =	vst v63  }
0x23e: {  	s5 =	simm.s32 $0x18000  }
0x23f: {  	[tilespmem:s5], [sflag:$0x3] =	stream.indirect_vreg.gather [hbm4b:s1+s3], $0x80, v3, vm0, $0xb8;
	[tilespmem:$0x18800] =	vst v63  }
0x240: {  	_ =	swait.ge [sflag:s6], $0x8000  }
0x241: {  	[sflag:s6] =	ssyncset.done $0x0  }
0x242: {  	s29 =	simm.s32 $0x800;
	s31 =	rddreg [dreg:$0x7];
	[sflag:s6] =	ssyncadd.s32 $0xFFFF8000  }
0x243: {  	[hbm4b:s31+s3] =	stream.linear.scatter [tilespmem:s29], [sflag:$0x4], $0x8000, $0x38;
	[tilespmem:$0x18800] =	vst v63  }
0x244: {  	_ =	swait.ge [sflag:s24], $0x8000  }
0x245: {  	[sflag:s24] =	ssyncset.done $0x0  }
0x246: {  	[sflag:s24] =	ssyncadd.s32 $0xFFFF8000  }
0x247: {  	v3 =	vld [tilespmem:$0x300];
	_ =	sdelay $0x4  }
0x248: {  	v40 =	vshll.u32 v3, $0x1  }
0x249: {  	v3 =	vand.u32 $0x7, v3;
	v4 =	vand.u32 $0xFFFFFFF0, v40  }
0x24a: {  	v3 =	vor.u32 v3, v4  }
0x24b: {  	v4 =	vperm.xlane v3, v0;
	_ =	sdelay $0x1  }
0x24c: {  	v3 =	vperm.xlane v3, v2;
	v4 =	vadd.s32 v1, v4;
	_ =	sdelay $0x1  }
0x24d: {  	v3 =	vadd.s32 v1, v3;
	_ =	sdelay $0x2  }
0x24e: {  	[tilespmem:s29], [sflag:$0x1] =	stream.indirect_vreg.gather [hbm4b:s1+s3], $0x80, v4, vm0, $0xb8;
	[tilespmem:$0x18800] =	vst v63  }
0x24f: {  	s31 =	simm.s32 $0x1000  }
0x250: {  	[tilespmem:s31], [sflag:$0x1] =	stream.indirect_vreg.gather [hbm4b:s1+s3], $0x80, v3, vm0, $0xb8;
	[tilespmem:$0x18800] =	vst v63  }
0x251: {  	v3 =	vld [tilespmem:$0x310];
	_ =	sdelay $0x4  }
0x252: {  	v41 =	vshll.u32 v3, $0x1  }
0x253: {  	v3 =	vand.u32 $0x7, v3;
	v4 =	vand.u32 $0xFFFFFFF0, v41  }
0x254: {  	v3 =	vor.u32 v3, v4  }
0x255: {  	v4 =	vperm.xlane v3, v0;
	_ =	sdelay $0x1  }
0x256: {  	v3 =	vperm.xlane v3, v2;
	v4 =	vadd.s32 v1, v4;
	_ =	sdelay $0x1  }
0x257: {  	v3 =	vadd.s32 v1, v3;
	_ =	sdelay $0x2  }
0x258: {  	[tilespmem:s0], [sflag:$0x1] =	stream.indirect_vreg.gather [hbm4b:s1+s3], $0x80, v4, vm0, $0xb8;
	[tilespmem:$0x18800] =	vst v63  }
0x259: {  	s31 =	simm.s32 $0x2000  }
0x25a: {  	[tilespmem:s31], [sflag:$0x1] =	stream.indirect_vreg.gather [hbm4b:s1+s3], $0x80, v3, vm0, $0xb8;
	[tilespmem:$0x18800] =	vst v63  }
0x25b: {  	v3 =	vld [tilespmem:$0x320];
	_ =	sdelay $0x4  }
0x25c: {  	v42 =	vshll.u32 v3, $0x1  }
0x25d: {  	v3 =	vand.u32 $0x7, v3;
	v4 =	vand.u32 $0xFFFFFFF0, v42  }
0x25e: {  	v3 =	vor.u32 v3, v4  }
0x25f: {  	v4 =	vperm.xlane v3, v0;
	_ =	sdelay $0x1  }
0x260: {  	v3 =	vperm.xlane v3, v2;
	v4 =	vadd.s32 v1, v4;
	_ =	sdelay $0x1  }
0x261: {  	v3 =	vadd.s32 v1, v3;
	_ =	sdelay $0x2  }
0x262: {  	[tilespmem:s25], [sflag:$0x1] =	stream.indirect_vreg.gather [hbm4b:s1+s3], $0x80, v4, vm0, $0xb8;
	[tilespmem:$0x18800] =	vst v63  }
0x263: {  	s29 =	simm.s32 $0x3000  }
0x264: {  	[tilespmem:s29], [sflag:$0x1] =	stream.indirect_vreg.gather [hbm4b:s1+s3], $0x80, v3, vm0, $0xb8;
	[tilespmem:$0x18800] =	vst v63  }
0x265: {  	v3 =	vld [tilespmem:$0x330];
	_ =	sdelay $0x4  }
0x266: {  	v43 =	vshll.u32 v3, $0x1  }
0x267: {  	v3 =	vand.u32 $0x7, v3;
	v4 =	vand.u32 $0xFFFFFFF0, v43  }
0x268: {  	v3 =	vor.u32 v3, v4  }
0x269: {  	v4 =	vperm.xlane v3, v0;
	_ =	sdelay $0x1  }
0x26a: {  	v3 =	vperm.xlane v3, v2;
	v4 =	vadd.s32 v1, v4;
	_ =	sdelay $0x1  }
0x26b: {  	v3 =	vadd.s32 v1, v3;
	_ =	sdelay $0x2  }
0x26c: {  	[tilespmem:s4], [sflag:$0x1] =	stream.indirect_vreg.gather [hbm4b:s1+s3], $0x80, v4, vm0, $0xb8;
	[tilespmem:$0x18800] =	vst v63  }
0x26d: {  	s31 =	simm.s32 $0x4000  }
0x26e: {  	[tilespmem:s31], [sflag:$0x1] =	stream.indirect_vreg.gather [hbm4b:s1+s3], $0x80, v3, vm0, $0xb8;
	[tilespmem:$0x18800] =	vst v63  }
0x26f: {  	v3 =	vld [tilespmem:$0x340];
	_ =	sdelay $0x4  }
0x270: {  	v44 =	vshll.u32 v3, $0x1  }
0x271: {  	v3 =	vand.u32 $0x7, v3;
	v4 =	vand.u32 $0xFFFFFFF0, v44  }
0x272: {  	v3 =	vor.u32 v3, v4  }
0x273: {  	v4 =	vperm.xlane v3, v0;
	_ =	sdelay $0x1  }
0x274: {  	v3 =	vperm.xlane v3, v2;
	v4 =	vadd.s32 v1, v4;
	_ =	sdelay $0x1  }
0x275: {  	v3 =	vadd.s32 v1, v3;
	_ =	sdelay $0x2  }
0x276: {  	[tilespmem:s23], [sflag:$0x1] =	stream.indirect_vreg.gather [hbm4b:s1+s3], $0x80, v4, vm0, $0xb8;
	[tilespmem:$0x18800] =	vst v63  }
0x277: {  	s4 =	simm.s32 $0x5000  }
0x278: {  	[tilespmem:s4], [sflag:$0x1] =	stream.indirect_vreg.gather [hbm4b:s1+s3], $0x80, v3, vm0, $0xb8;
	[tilespmem:$0x18800] =	vst v63  }
0x279: {  	v3 =	vld [tilespmem:$0x350];
	_ =	sdelay $0x4  }
0x27a: {  	v45 =	vshll.u32 v3, $0x1  }
0x27b: {  	v3 =	vand.u32 $0x7, v3;
	v4 =	vand.u32 $0xFFFFFFF0, v45  }
0x27c: {  	v3 =	vor.u32 v3, v4  }
0x27d: {  	v4 =	vperm.xlane v3, v0;
	_ =	sdelay $0x1  }
0x27e: {  	v3 =	vperm.xlane v3, v2;
	v4 =	vadd.s32 v1, v4;
	_ =	sdelay $0x1  }
0x27f: {  	v3 =	vadd.s32 v1, v3;
	_ =	sdelay $0x2  }
0x280: {  	[tilespmem:s8], [sflag:$0x1] =	stream.indirect_vreg.gather [hbm4b:s1+s3], $0x80, v4, vm0, $0xb8;
	[tilespmem:$0x18800] =	vst v63  }
0x281: {  	_ = 	snop  }
0x282: {  	[tilespmem:s11], [sflag:$0x1] =	stream.indirect_vreg.gather [hbm4b:s1+s3], $0x80, v3, vm0, $0xb8;
	[tilespmem:$0x18800] =	vst v63  }
0x283: {  	v3 =	vld [tilespmem:$0x360];
	_ =	sdelay $0x4  }
0x284: {  	v46 =	vshll.u32 v3, $0x1  }
0x285: {  	v3 =	vand.u32 $0x7, v3;
	v4 =	vand.u32 $0xFFFFFFF0, v46  }
0x286: {  	v3 =	vor.u32 v3, v4  }
0x287: {  	v4 =	vperm.xlane v3, v0;
	_ =	sdelay $0x1  }
0x288: {  	v3 =	vperm.xlane v3, v2;
	v4 =	vadd.s32 v1, v4;
	_ =	sdelay $0x1  }
0x289: {  	v3 =	vadd.s32 v1, v3;
	_ =	sdelay $0x2  }
0x28a: {  	[tilespmem:s9], [sflag:$0x1] =	stream.indirect_vreg.gather [hbm4b:s1+s3], $0x80, v4, vm0, $0xb8;
	[tilespmem:$0x18800] =	vst v63  }
0x28b: {  	_ = 	snop  }
0x28c: {  	[tilespmem:s12], [sflag:$0x1] =	stream.indirect_vreg.gather [hbm4b:s1+s3], $0x80, v3, vm0, $0xb8;
	[tilespmem:$0x18800] =	vst v63  }
0x28d: {  	v3 =	vld [tilespmem:$0x370];
	_ =	sdelay $0x4  }
0x28e: {  	v47 =	vshll.u32 v3, $0x1  }
0x28f: {  	v3 =	vand.u32 $0x7, v3;
	v4 =	vand.u32 $0xFFFFFFF0, v47  }
0x290: {  	v3 =	vor.u32 v3, v4  }
0x291: {  	v4 =	vperm.xlane v3, v0;
	_ =	sdelay $0x1  }
0x292: {  	v3 =	vperm.xlane v3, v2;
	v4 =	vadd.s32 v1, v4;
	_ =	sdelay $0x1  }
0x293: {  	v3 =	vadd.s32 v1, v3;
	_ =	sdelay $0x2  }
0x294: {  	[tilespmem:s10], [sflag:$0x1] =	stream.indirect_vreg.gather [hbm4b:s1+s3], $0x80, v4, vm0, $0xb8;
	[tilespmem:$0x18800] =	vst v63  }
0x295: {  	s11 =	simm.s32 $0x8000  }
0x296: {  	[tilespmem:s11], [sflag:$0x1] =	stream.indirect_vreg.gather [hbm4b:s1+s3], $0x80, v3, vm0, $0xb8;
	[tilespmem:$0x18800] =	vst v63  }
0x297: {  	_ =	swait.ge [sflag:s26], $0x8000  }
0x298: {  	[sflag:s26] =	ssyncset.done $0x0  }
0x299: {  	s23 =	simm.s32 $0x8800;
	s12 =	rddreg [dreg:$0x8];
	[sflag:s26] =	ssyncadd.s32 $0xFFFF8000  }
0x29a: {  	[hbm4b:s12+s3] =	stream.linear.scatter [tilespmem:s23], [sflag:$0x5], $0x8000, $0x38;
	[tilespmem:$0x18800] =	vst v63  }
0x29b: {  	_ =	swait.ge [sflag:s28], $0x8000  }
0x29c: {  	[sflag:s28] =	ssyncset.done $0x0  }
0x29d: {  	[sflag:s28] =	ssyncadd.s32 $0xFFFF8000  }
0x29e: {  	v3 =	vld [tilespmem:$0x380];
	_ =	sdelay $0x4  }
0x29f: {  	v48 =	vshll.u32 v3, $0x1  }
0x2a0: {  	v3 =	vand.u32 $0x7, v3;
	v4 =	vand.u32 $0xFFFFFFF0, v48  }
0x2a1: {  	v3 =	vor.u32 v3, v4  }
0x2a2: {  	v4 =	vperm.xlane v3, v0;
	_ =	sdelay $0x1  }
0x2a3: {  	v3 =	vperm.xlane v3, v2;
	v4 =	vadd.s32 v1, v4;
	_ =	sdelay $0x1  }
0x2a4: {  	v3 =	vadd.s32 v1, v3;
	_ =	sdelay $0x2  }
0x2a5: {  	[tilespmem:s23], [sflag:$0x2] =	stream.indirect_vreg.gather [hbm4b:s1+s3], $0x80, v4, vm0, $0xb8;
	[tilespmem:$0x18800] =	vst v63  }
0x2a6: {  	s29 =	simm.s32 $0x9000  }
0x2a7: {  	[tilespmem:s29], [sflag:$0x2] =	stream.indirect_vreg.gather [hbm4b:s1+s3], $0x80, v3, vm0, $0xb8;
	[tilespmem:$0x18800] =	vst v63  }
0x2a8: {  	v3 =	vld [tilespmem:$0x390];
	_ =	sdelay $0x4  }
0x2a9: {  	v49 =	vshll.u32 v3, $0x1  }
0x2aa: {  	v3 =	vand.u32 $0x7, v3;
	v4 =	vand.u32 $0xFFFFFFF0, v49  }
0x2ab: {  	v3 =	vor.u32 v3, v4  }
0x2ac: {  	v4 =	vperm.xlane v3, v0;
	_ =	sdelay $0x1  }
0x2ad: {  	v3 =	vperm.xlane v3, v2;
	v4 =	vadd.s32 v1, v4;
	_ =	sdelay $0x1  }
0x2ae: {  	v3 =	vadd.s32 v1, v3;
	_ =	sdelay $0x1  }
0x2af: {  	s25 =	simm.s32 $0x9800  }
0x2b0: {  	[tilespmem:s25], [sflag:$0x2] =	stream.indirect_vreg.gather [hbm4b:s1+s3], $0x80, v4, vm0, $0xb8;
	[tilespmem:$0x18800] =	vst v63  }
0x2b1: {  	s23 =	simm.s32 $0xA000  }
0x2b2: {  	[tilespmem:s23], [sflag:$0x2] =	stream.indirect_vreg.gather [hbm4b:s1+s3], $0x80, v3, vm0, $0xb8;
	[tilespmem:$0x18800] =	vst v63  }
0x2b3: {  	v3 =	vld [tilespmem:$0x3A0];
	_ =	sdelay $0x4  }
0x2b4: {  	v50 =	vshll.u32 v3, $0x1  }
0x2b5: {  	v3 =	vand.u32 $0x7, v3;
	v4 =	vand.u32 $0xFFFFFFF0, v50  }
0x2b6: {  	v3 =	vor.u32 v3, v4  }
0x2b7: {  	v4 =	vperm.xlane v3, v0;
	_ =	sdelay $0x1  }
0x2b8: {  	v3 =	vperm.xlane v3, v2;
	v4 =	vadd.s32 v1, v4;
	_ =	sdelay $0x1  }
0x2b9: {  	v3 =	vadd.s32 v1, v3;
	_ =	sdelay $0x1  }
0x2ba: {  	s31 =	simm.s32 $0xA800  }
0x2bb: {  	[tilespmem:s31], [sflag:$0x2] =	stream.indirect_vreg.gather [hbm4b:s1+s3], $0x80, v4, vm0, $0xb8;
	[tilespmem:$0x18800] =	vst v63  }
0x2bc: {  	s8 =	simm.s32 $0xB000  }
0x2bd: {  	[tilespmem:s8], [sflag:$0x2] =	stream.indirect_vreg.gather [hbm4b:s1+s3], $0x80, v3, vm0, $0xb8;
	[tilespmem:$0x18800] =	vst v63  }
0x2be: {  	v3 =	vld [tilespmem:$0x3B0];
	_ =	sdelay $0x4  }
0x2bf: {  	v51 =	vshll.u32 v3, $0x1  }
0x2c0: {  	v3 =	vand.u32 $0x7, v3;
	v4 =	vand.u32 $0xFFFFFFF0, v51  }
0x2c1: {  	v3 =	vor.u32 v3, v4  }
0x2c2: {  	v4 =	vperm.xlane v3, v0;
	_ =	sdelay $0x1  }
0x2c3: {  	v3 =	vperm.xlane v3, v2;
	v4 =	vadd.s32 v1, v4;
	_ =	sdelay $0x1  }
0x2c4: {  	v3 =	vadd.s32 v1, v3;
	_ =	sdelay $0x1  }
0x2c5: {  	s9 =	simm.s32 $0xB800  }
0x2c6: {  	[tilespmem:s9], [sflag:$0x2] =	stream.indirect_vreg.gather [hbm4b:s1+s3], $0x80, v4, vm0, $0xb8;
	[tilespmem:$0x18800] =	vst v63  }
0x2c7: {  	s10 =	simm.s32 $0xC000  }
0x2c8: {  	[tilespmem:s10], [sflag:$0x2] =	stream.indirect_vreg.gather [hbm4b:s1+s3], $0x80, v3, vm0, $0xb8;
	[tilespmem:$0x18800] =	vst v63  }
0x2c9: {  	v3 =	vld [tilespmem:$0x3C0];
	_ =	sdelay $0x4  }
0x2ca: {  	v52 =	vshll.u32 v3, $0x1  }
0x2cb: {  	v3 =	vand.u32 $0x7, v3;
	v4 =	vand.u32 $0xFFFFFFF0, v52  }
0x2cc: {  	v3 =	vor.u32 v3, v4  }
0x2cd: {  	v4 =	vperm.xlane v3, v0;
	_ =	sdelay $0x1  }
0x2ce: {  	v3 =	vperm.xlane v3, v2;
	v4 =	vadd.s32 v1, v4;
	_ =	sdelay $0x1  }
0x2cf: {  	v3 =	vadd.s32 v1, v3;
	_ =	sdelay $0x1  }
0x2d0: {  	s11 =	simm.s32 $0xC800  }
0x2d1: {  	[tilespmem:s11], [sflag:$0x2] =	stream.indirect_vreg.gather [hbm4b:s1+s3], $0x80, v4, vm0, $0xb8;
	[tilespmem:$0x18800] =	vst v63  }
0x2d2: {  	s12 =	simm.s32 $0xD000  }
0x2d3: {  	[tilespmem:s12], [sflag:$0x2] =	stream.indirect_vreg.gather [hbm4b:s1+s3], $0x80, v3, vm0, $0xb8;
	[tilespmem:$0x18800] =	vst v63  }
0x2d4: {  	v3 =	vld [tilespmem:$0x3D0];
	_ =	sdelay $0x4  }
0x2d5: {  	v53 =	vshll.u32 v3, $0x1  }
0x2d6: {  	v3 =	vand.u32 $0x7, v3;
	v4 =	vand.u32 $0xFFFFFFF0, v53  }
0x2d7: {  	v3 =	vor.u32 v3, v4  }
0x2d8: {  	v4 =	vperm.xlane v3, v0;
	_ =	sdelay $0x1  }
0x2d9: {  	v3 =	vperm.xlane v3, v2;
	v4 =	vadd.s32 v1, v4;
	_ =	sdelay $0x1  }
0x2da: {  	v3 =	vadd.s32 v1, v3;
	_ =	sdelay $0x1  }
0x2db: {  	s25 =	simm.s32 $0xD800  }
0x2dc: {  	[tilespmem:s25], [sflag:$0x2] =	stream.indirect_vreg.gather [hbm4b:s1+s3], $0x80, v4, vm0, $0xb8;
	[tilespmem:$0x18800] =	vst v63  }
0x2dd: {  	s31 =	simm.s32 $0xE000  }
0x2de: {  	[tilespmem:s31], [sflag:$0x2] =	stream.indirect_vreg.gather [hbm4b:s1+s3], $0x80, v3, vm0, $0xb8;
	[tilespmem:$0x18800] =	vst v63  }
0x2df: {  	v3 =	vld [tilespmem:$0x3E0];
	_ =	sdelay $0x4  }
0x2e0: {  	v54 =	vshll.u32 v3, $0x1  }
0x2e1: {  	v3 =	vand.u32 $0x7, v3;
	v4 =	vand.u32 $0xFFFFFFF0, v54  }
0x2e2: {  	v3 =	vor.u32 v3, v4  }
0x2e3: {  	v4 =	vperm.xlane v3, v0;
	_ =	sdelay $0x1  }
0x2e4: {  	v3 =	vperm.xlane v3, v2;
	v4 =	vadd.s32 v1, v4;
	_ =	sdelay $0x1  }
0x2e5: {  	v3 =	vadd.s32 v1, v3;
	_ =	sdelay $0x2  }
0x2e6: {  	[tilespmem:s7], [sflag:$0x2] =	stream.indirect_vreg.gather [hbm4b:s1+s3], $0x80, v4, vm0, $0xb8;
	[tilespmem:$0x18800] =	vst v63  }
0x2e7: {  	s25 =	simm.s32 $0xF000  }
0x2e8: {  	[tilespmem:s25], [sflag:$0x2] =	stream.indirect_vreg.gather [hbm4b:s1+s3], $0x80, v3, vm0, $0xb8;
	[tilespmem:$0x18800] =	vst v63  }
0x2e9: {  	v3 =	vld [tilespmem:$0x3F0];
	_ =	sdelay $0x4  }
0x2ea: {  	v55 =	vshll.u32 v3, $0x1  }
0x2eb: {  	v3 =	vand.u32 $0x7, v3;
	v4 =	vand.u32 $0xFFFFFFF0, v55  }
0x2ec: {  	v3 =	vor.u32 v3, v4  }
0x2ed: {  	v4 =	vperm.xlane v3, v0;
	_ =	sdelay $0x1  }
0x2ee: {  	v3 =	vperm.xlane v3, v2;
	v4 =	vadd.s32 v1, v4;
	_ =	sdelay $0x1  }
0x2ef: {  	v3 =	vadd.s32 v1, v3;
	_ =	sdelay $0x1  }
0x2f0: {  	s8 =	simm.s32 $0xF800  }
0x2f1: {  	[tilespmem:s8], [sflag:$0x2] =	stream.indirect_vreg.gather [hbm4b:s1+s3], $0x80, v4, vm0, $0xb8;
	[tilespmem:$0x18800] =	vst v63  }
0x2f2: {  	s11 =	simm.s32 $0x10000  }
0x2f3: {  	[tilespmem:s11], [sflag:$0x2] =	stream.indirect_vreg.gather [hbm4b:s1+s3], $0x80, v3, vm0, $0xb8;
	[tilespmem:$0x18800] =	vst v63  }
0x2f4: {  	_ =	swait.ge [sflag:s30], $0x8000  }
0x2f5: {  	[sflag:s30] =	ssyncset.done $0x0  }
0x2f6: {  	s10 =	simm.s32 $0x10800;
	s9 =	rddreg [dreg:$0x9];
	[sflag:s30] =	ssyncadd.s32 $0xFFFF8000  }
0x2f7: {  	[hbm4b:s9+s3] =	stream.linear.scatter [tilespmem:s10], [sflag:$0x6], $0x8000, $0x38;
	[tilespmem:$0x18800] =	vst v63  }
0x2f8: {  	_ =	swait.ge [sflag:s2], $0x8000  }
0x2f9: {  	[sflag:s2] =	ssyncset.done $0x0  }
0x2fa: {  	[sflag:s2] =	ssyncadd.s32 $0xFFFF8000  }
0x2fb: {  	v3 =	vld [tilespmem:$0x400];
	_ =	sdelay $0x4  }
0x2fc: {  	v56 =	vshll.u32 v3, $0x1  }
0x2fd: {  	v3 =	vand.u32 $0x7, v3;
	v4 =	vand.u32 $0xFFFFFFF0, v56  }
0x2fe: {  	v3 =	vor.u32 v3, v4  }
0x2ff: {  	v4 =	vperm.xlane v3, v0;
	_ =	sdelay $0x1  }
0x300: {  	v3 =	vperm.xlane v3, v2;
	v4 =	vadd.s32 v1, v4;
	_ =	sdelay $0x1  }
0x301: {  	v3 =	vadd.s32 v1, v3;
	_ =	sdelay $0x2  }
0x302: {  	[tilespmem:s10], [sflag:$0x3] =	stream.indirect_vreg.gather [hbm4b:s1+s3], $0x80, v4, vm0, $0xb8;
	[tilespmem:$0x18800] =	vst v63  }
0x303: {  	s10 =	simm.s32 $0x11000  }
0x304: {  	[tilespmem:s10], [sflag:$0x3] =	stream.indirect_vreg.gather [hbm4b:s1+s3], $0x80, v3, vm0, $0xb8;
	[tilespmem:$0x18800] =	vst v63  }
0x305: {  	v3 =	vld [tilespmem:$0x410];
	_ =	sdelay $0x4  }
0x306: {  	v57 =	vshll.u32 v3, $0x1  }
0x307: {  	v3 =	vand.u32 $0x7, v3;
	v4 =	vand.u32 $0xFFFFFFF0, v57  }
0x308: {  	v3 =	vor.u32 v3, v4  }
0x309: {  	v4 =	vperm.xlane v3, v0;
	_ =	sdelay $0x1  }
0x30a: {  	v3 =	vperm.xlane v3, v2;
	v4 =	vadd.s32 v1, v4;
	_ =	sdelay $0x1  }
0x30b: {  	v3 =	vadd.s32 v1, v3;
	_ =	sdelay $0x2  }
0x30c: {  	[tilespmem:s19], [sflag:$0x3] =	stream.indirect_vreg.gather [hbm4b:s1+s3], $0x80, v4, vm0, $0xb8;
	[tilespmem:$0x18800] =	vst v63  }
0x30d: {  	s7 =	simm.s32 $0x12000  }
0x30e: {  	[tilespmem:s7], [sflag:$0x3] =	stream.indirect_vreg.gather [hbm4b:s1+s3], $0x80, v3, vm0, $0xb8;
	[tilespmem:$0x18800] =	vst v63  }
0x30f: {  	v3 =	vld [tilespmem:$0x420];
	_ =	sdelay $0x4  }
0x310: {  	v58 =	vshll.u32 v3, $0x1  }
0x311: {  	v3 =	vand.u32 $0x7, v3;
	v4 =	vand.u32 $0xFFFFFFF0, v58  }
0x312: {  	v3 =	vor.u32 v3, v4  }
0x313: {  	v4 =	vperm.xlane v3, v0;
	_ =	sdelay $0x1  }
0x314: {  	v3 =	vperm.xlane v3, v2;
	v4 =	vadd.s32 v1, v4;
	_ =	sdelay $0x1  }
0x315: {  	v3 =	vadd.s32 v1, v3;
	_ =	sdelay $0x2  }
0x316: {  	[tilespmem:s20], [sflag:$0x3] =	stream.indirect_vreg.gather [hbm4b:s1+s3], $0x80, v4, vm0, $0xb8;
	[tilespmem:$0x18800] =	vst v63  }
0x317: {  	s8 =	simm.s32 $0x13000  }
0x318: {  	[tilespmem:s8], [sflag:$0x3] =	stream.indirect_vreg.gather [hbm4b:s1+s3], $0x80, v3, vm0, $0xb8;
	[tilespmem:$0x18800] =	vst v63  }
0x319: {  	v3 =	vld [tilespmem:$0x430];
	_ =	sdelay $0x4  }
0x31a: {  	v59 =	vshll.u32 v3, $0x1  }
0x31b: {  	v3 =	vand.u32 $0x7, v3;
	v4 =	vand.u32 $0xFFFFFFF0, v59  }
0x31c: {  	v3 =	vor.u32 v3, v4  }
0x31d: {  	v4 =	vperm.xlane v3, v0;
	_ =	sdelay $0x1  }
0x31e: {  	v3 =	vperm.xlane v3, v2;
	v4 =	vadd.s32 v1, v4;
	_ =	sdelay $0x1  }
0x31f: {  	v3 =	vadd.s32 v1, v3;
	_ =	sdelay $0x2  }
0x320: {  	[tilespmem:s21], [sflag:$0x3] =	stream.indirect_vreg.gather [hbm4b:s1+s3], $0x80, v4, vm0, $0xb8;
	[tilespmem:$0x18800] =	vst v63  }
0x321: {  	s9 =	simm.s32 $0x14000  }
0x322: {  	[tilespmem:s9], [sflag:$0x3] =	stream.indirect_vreg.gather [hbm4b:s1+s3], $0x80, v3, vm0, $0xb8;
	[tilespmem:$0x18800] =	vst v63  }
0x323: {  	v3 =	vld [tilespmem:$0x440];
	_ =	sdelay $0x4  }
0x324: {  	v60 =	vshll.u32 v3, $0x1  }
0x325: {  	v3 =	vand.u32 $0x7, v3;
	v4 =	vand.u32 $0xFFFFFFF0, v60  }
0x326: {  	v3 =	vor.u32 v3, v4  }
0x327: {  	v4 =	vperm.xlane v3, v0;
	_ =	sdelay $0x1  }
0x328: {  	v3 =	vperm.xlane v3, v2;
	v4 =	vadd.s32 v1, v4;
	_ =	sdelay $0x1  }
0x329: {  	v3 =	vadd.s32 v1, v3;
	_ =	sdelay $0x2  }
0x32a: {  	[tilespmem:s22], [sflag:$0x3] =	stream.indirect_vreg.gather [hbm4b:s1+s3], $0x80, v4, vm0, $0xb8;
	[tilespmem:$0x18800] =	vst v63  }
0x32b: {  	_ = 	snop  }
0x32c: {  	[tilespmem:s17], [sflag:$0x3] =	stream.indirect_vreg.gather [hbm4b:s1+s3], $0x80, v3, vm0, $0xb8;
	[tilespmem:$0x18800] =	vst v63  }
0x32d: {  	v3 =	vld [tilespmem:$0x450];
	_ =	sdelay $0x4  }
0x32e: {  	v61 =	vshll.u32 v3, $0x1  }
0x32f: {  	v3 =	vand.u32 $0x7, v3;
	v4 =	vand.u32 $0xFFFFFFF0, v61  }
0x330: {  	v3 =	vor.u32 v3, v4  }
0x331: {  	v4 =	vperm.xlane v3, v0;
	_ =	sdelay $0x1  }
0x332: {  	v3 =	vperm.xlane v3, v2;
	v4 =	vadd.s32 v1, v4;
	_ =	sdelay $0x1  }
0x333: {  	v3 =	vadd.s32 v1, v3;
	_ =	sdelay $0x2  }
0x334: {  	[tilespmem:s14], [sflag:$0x3] =	stream.indirect_vreg.gather [hbm4b:s1+s3], $0x80, v4, vm0, $0xb8;
	[tilespmem:$0x18800] =	vst v63  }
0x335: {  	_ = 	snop  }
0x336: {  	[tilespmem:s18], [sflag:$0x3] =	stream.indirect_vreg.gather [hbm4b:s1+s3], $0x80, v3, vm0, $0xb8;
	[tilespmem:$0x18800] =	vst v63  }
0x337: {  	v3 =	vld [tilespmem:$0x460];
	_ =	sdelay $0x4  }
0x338: {  	v62 =	vshll.u32 v3, $0x1  }
0x339: {  	v3 =	vand.u32 $0x7, v3;
	v4 =	vand.u32 $0xFFFFFFF0, v62  }
0x33a: {  	v3 =	vor.u32 v3, v4  }
0x33b: {  	v4 =	vperm.xlane v3, v0;
	_ =	sdelay $0x1  }
0x33c: {  	v3 =	vperm.xlane v3, v2;
	v4 =	vadd.s32 v1, v4;
	_ =	sdelay $0x1  }
0x33d: {  	v3 =	vadd.s32 v1, v3;
	_ =	sdelay $0x2  }
0x33e: {  	[tilespmem:s15], [sflag:$0x3] =	stream.indirect_vreg.gather [hbm4b:s1+s3], $0x80, v4, vm0, $0xb8;
	[tilespmem:$0x18800] =	vst v63  }
0x33f: {  	_ = 	snop  }
0x340: {  	[tilespmem:s13], [sflag:$0x3] =	stream.indirect_vreg.gather [hbm4b:s1+s3], $0x80, v3, vm0, $0xb8;
	[tilespmem:$0x18800] =	vst v63  }
0x341: {  	v3 =	vld [tilespmem:$0x470];
	_ =	sdelay $0x4  }
0x342: {  	v63 =	vshll.u32 v3, $0x1  }
0x343: {  	v3 =	vand.u32 $0x7, v3;
	v4 =	vand.u32 $0xFFFFFFF0, v63  }
0x344: {  	v3 =	vor.u32 v3, v4  }
0x345: {  	v4 =	vperm.xlane v3, v0;
	_ =	sdelay $0x1  }
0x346: {  	v3 =	vperm.xlane v3, v2;
	v4 =	vadd.s32 v1, v4;
	_ =	sdelay $0x1  }
0x347: {  	v3 =	vadd.s32 v1, v3;
	_ =	sdelay $0x2  }
0x348: {  	[tilespmem:s16], [sflag:$0x3] =	stream.indirect_vreg.gather [hbm4b:s1+s3], $0x80, v4, vm0, $0xb8;
	[tilespmem:$0x18800] =	vst v63  }
0x349: {  	_ = 	snop  }
0x34a: {  	[tilespmem:s5], [sflag:$0x3] =	stream.indirect_vreg.gather [hbm4b:s1+s3], $0x80, v3, vm0, $0xb8;
	[tilespmem:$0x18800] =	vst v63  }
0x34b: {  	_ =	swait.ge [sflag:s6], $0x8000  }
0x34c: {  	[sflag:s6] =	ssyncset.done $0x0  }
0x34d: {  	s21 =	simm.s32 $0x800;
	s20 =	rddreg [dreg:$0xa];
	[sflag:s6] =	ssyncadd.s32 $0xFFFF8000  }
0x34e: {  	[hbm4b:s20+s3] =	stream.linear.scatter [tilespmem:s21], [sflag:$0x4], $0x8000, $0x38;
	[tilespmem:$0x18800] =	vst v63  }
0x34f: {  	_ =	swait.ge [sflag:s24], $0x8000  }
0x350: {  	[sflag:s24] =	ssyncset.done $0x0  }
0x351: {  	[sflag:s24] =	ssyncadd.s32 $0xFFFF8000  }
0x352: {  	v3 =	vld [tilespmem:$0x480];
	_ =	sdelay $0x4  }
0x353: {  	v8 =	vshll.u32 v3, $0x1  }
0x354: {  	v3 =	vand.u32 $0x7, v3;
	v4 =	vand.u32 $0xFFFFFFF0, v8  }
0x355: {  	v3 =	vor.u32 v3, v4  }
0x356: {  	v4 =	vperm.xlane v3, v0;
	_ =	sdelay $0x1  }
0x357: {  	v3 =	vperm.xlane v3, v2;
	v4 =	vadd.s32 v1, v4;
	_ =	sdelay $0x1  }
0x358: {  	v3 =	vadd.s32 v1, v3;
	_ =	sdelay $0x2  }
0x359: {  	[tilespmem:s21], [sflag:$0x1] =	stream.indirect_vreg.gather [hbm4b:s1+s3], $0x80, v4, vm0, $0xb8;
	[tilespmem:$0x18800] =	vst v63  }
0x35a: {  	s5 =	simm.s32 $0x1000  }
0x35b: {  	[tilespmem:s5], [sflag:$0x1] =	stream.indirect_vreg.gather [hbm4b:s1+s3], $0x80, v3, vm0, $0xb8;
	[tilespmem:$0x18800] =	vst v63  }
0x35c: {  	v3 =	vld [tilespmem:$0x490];
	_ =	sdelay $0x4  }
0x35d: {  	v9 =	vshll.u32 v3, $0x1  }
0x35e: {  	v3 =	vand.u32 $0x7, v3;
	v4 =	vand.u32 $0xFFFFFFF0, v9  }
0x35f: {  	v3 =	vor.u32 v3, v4  }
0x360: {  	v4 =	vperm.xlane v3, v0;
	_ =	sdelay $0x1  }
0x361: {  	v3 =	vperm.xlane v3, v2;
	v4 =	vadd.s32 v1, v4;
	_ =	sdelay $0x1  }
0x362: {  	v3 =	vadd.s32 v1, v3;
	_ =	sdelay $0x1  }
0x363: {  	s16 =	simm.s32 $0x1800  }
0x364: {  	[tilespmem:s16], [sflag:$0x1] =	stream.indirect_vreg.gather [hbm4b:s1+s3], $0x80, v4, vm0, $0xb8;
	[tilespmem:$0x18800] =	vst v63  }
0x365: {  	s20 =	simm.s32 $0x2000  }
0x366: {  	[tilespmem:s20], [sflag:$0x1] =	stream.indirect_vreg.gather [hbm4b:s1+s3], $0x80, v3, vm0, $0xb8;
	[tilespmem:$0x18800] =	vst v63  }
0x367: {  	v3 =	vld [tilespmem:$0x4A0];
	_ =	sdelay $0x4  }
0x368: {  	v10 =	vshll.u32 v3, $0x1  }
0x369: {  	v3 =	vand.u32 $0x7, v3;
	v4 =	vand.u32 $0xFFFFFFF0, v10  }
0x36a: {  	v3 =	vor.u32 v3, v4  }
0x36b: {  	v4 =	vperm.xlane v3, v0;
	_ =	sdelay $0x1  }
0x36c: {  	v3 =	vperm.xlane v3, v2;
	v4 =	vadd.s32 v1, v4;
	_ =	sdelay $0x1  }
0x36d: {  	v3 =	vadd.s32 v1, v3;
	_ =	sdelay $0x1  }
0x36e: {  	s22 =	simm.s32 $0x2800  }
0x36f: {  	[tilespmem:s22], [sflag:$0x1] =	stream.indirect_vreg.gather [hbm4b:s1+s3], $0x80, v4, vm0, $0xb8;
	[tilespmem:$0x18800] =	vst v63  }
0x370: {  	s21 =	simm.s32 $0x3000  }
0x371: {  	[tilespmem:s21], [sflag:$0x1] =	stream.indirect_vreg.gather [hbm4b:s1+s3], $0x80, v3, vm0, $0xb8;
	[tilespmem:$0x18800] =	vst v63  }
0x372: {  	v3 =	vld [tilespmem:$0x4B0];
	_ =	sdelay $0x4  }
0x373: {  	v11 =	vshll.u32 v3, $0x1  }
0x374: {  	v3 =	vand.u32 $0x7, v3;
	v4 =	vand.u32 $0xFFFFFFF0, v11  }
0x375: {  	v3 =	vor.u32 v3, v4  }
0x376: {  	v4 =	vperm.xlane v3, v0;
	_ =	sdelay $0x1  }
0x377: {  	v3 =	vperm.xlane v3, v2;
	v4 =	vadd.s32 v1, v4;
	_ =	sdelay $0x1  }
0x378: {  	v3 =	vadd.s32 v1, v3;
	_ =	sdelay $0x1  }
0x379: {  	s12 =	simm.s32 $0x3800  }
0x37a: {  	[tilespmem:s12], [sflag:$0x1] =	stream.indirect_vreg.gather [hbm4b:s1+s3], $0x80, v4, vm0, $0xb8;
	[tilespmem:$0x18800] =	vst v63  }
0x37b: {  	s22 =	simm.s32 $0x4000  }
0x37c: {  	[tilespmem:s22], [sflag:$0x1] =	stream.indirect_vreg.gather [hbm4b:s1+s3], $0x80, v3, vm0, $0xb8;
	[tilespmem:$0x18800] =	vst v63  }
0x37d: {  	v3 =	vld [tilespmem:$0x4C0];
	_ =	sdelay $0x4  }
0x37e: {  	v12 =	vshll.u32 v3, $0x1  }
0x37f: {  	v3 =	vand.u32 $0x7, v3;
	v4 =	vand.u32 $0xFFFFFFF0, v12  }
0x380: {  	v3 =	vor.u32 v3, v4  }
0x381: {  	v4 =	vperm.xlane v3, v0;
	_ =	sdelay $0x1  }
0x382: {  	v3 =	vperm.xlane v3, v2;
	v4 =	vadd.s32 v1, v4;
	_ =	sdelay $0x1  }
0x383: {  	v3 =	vadd.s32 v1, v3;
	_ =	sdelay $0x1  }
0x384: {  	s13 =	simm.s32 $0x4800  }
0x385: {  	[tilespmem:s13], [sflag:$0x1] =	stream.indirect_vreg.gather [hbm4b:s1+s3], $0x80, v4, vm0, $0xb8;
	[tilespmem:$0x18800] =	vst v63  }
0x386: {  	s31 =	simm.s32 $0x5000  }
0x387: {  	[tilespmem:s31], [sflag:$0x1] =	stream.indirect_vreg.gather [hbm4b:s1+s3], $0x80, v3, vm0, $0xb8;
	[tilespmem:$0x18800] =	vst v63  }
0x388: {  	v3 =	vld [tilespmem:$0x4D0];
	_ =	sdelay $0x4  }
0x389: {  	v13 =	vshll.u32 v3, $0x1  }
0x38a: {  	v3 =	vand.u32 $0x7, v3;
	v4 =	vand.u32 $0xFFFFFFF0, v13  }
0x38b: {  	v3 =	vor.u32 v3, v4  }
0x38c: {  	v4 =	vperm.xlane v3, v0;
	_ =	sdelay $0x1  }
0x38d: {  	v3 =	vperm.xlane v3, v2;
	v4 =	vadd.s32 v1, v4;
	_ =	sdelay $0x1  }
0x38e: {  	v3 =	vadd.s32 v1, v3;
	_ =	sdelay $0x1  }
0x38f: {  	s14 =	simm.s32 $0x5800  }
0x390: {  	[tilespmem:s14], [sflag:$0x1] =	stream.indirect_vreg.gather [hbm4b:s1+s3], $0x80, v4, vm0, $0xb8;
	[tilespmem:$0x18800] =	vst v63  }
0x391: {  	s18 =	simm.s32 $0x6000  }
0x392: {  	[tilespmem:s18], [sflag:$0x1] =	stream.indirect_vreg.gather [hbm4b:s1+s3], $0x80, v3, vm0, $0xb8;
	[tilespmem:$0x18800] =	vst v63  }
0x393: {  	v3 =	vld [tilespmem:$0x4E0];
	_ =	sdelay $0x4  }
0x394: {  	v14 =	vshll.u32 v3, $0x1  }
0x395: {  	v3 =	vand.u32 $0x7, v3;
	v4 =	vand.u32 $0xFFFFFFF0, v14  }
0x396: {  	v3 =	vor.u32 v3, v4  }
0x397: {  	v4 =	vperm.xlane v3, v0;
	_ =	sdelay $0x1  }
0x398: {  	v3 =	vperm.xlane v3, v2;
	v4 =	vadd.s32 v1, v4;
	_ =	sdelay $0x1  }
0x399: {  	v3 =	vadd.s32 v1, v3;
	_ =	sdelay $0x1  }
0x39a: {  	s15 =	simm.s32 $0x6800  }
0x39b: {  	[tilespmem:s15], [sflag:$0x1] =	stream.indirect_vreg.gather [hbm4b:s1+s3], $0x80, v4, vm0, $0xb8;
	[tilespmem:$0x18800] =	vst v63  }
0x39c: {  	s19 =	simm.s32 $0x7000  }
0x39d: {  	[tilespmem:s19], [sflag:$0x1] =	stream.indirect_vreg.gather [hbm4b:s1+s3], $0x80, v3, vm0, $0xb8;
	[tilespmem:$0x18800] =	vst v63  }
0x39e: {  	v3 =	vld [tilespmem:$0x4F0];
	_ =	sdelay $0x4  }
0x39f: {  	v15 =	vshll.u32 v3, $0x1  }
0x3a0: {  	v3 =	vand.u32 $0x7, v3;
	v4 =	vand.u32 $0xFFFFFFF0, v15  }
0x3a1: {  	v3 =	vor.u32 v3, v4  }
0x3a2: {  	v4 =	vperm.xlane v3, v0;
	_ =	sdelay $0x1  }
0x3a3: {  	v3 =	vperm.xlane v3, v2;
	v4 =	vadd.s32 v1, v4;
	_ =	sdelay $0x1  }
0x3a4: {  	v3 =	vadd.s32 v1, v3;
	_ =	sdelay $0x1  }
0x3a5: {  	s17 =	simm.s32 $0x7800  }
0x3a6: {  	[tilespmem:s17], [sflag:$0x1] =	stream.indirect_vreg.gather [hbm4b:s1+s3], $0x80, v4, vm0, $0xb8;
	[tilespmem:$0x18800] =	vst v63  }
0x3a7: {  	s31 =	simm.s32 $0x8000  }
0x3a8: {  	[tilespmem:s31], [sflag:$0x1] =	stream.indirect_vreg.gather [hbm4b:s1+s3], $0x80, v3, vm0, $0xb8;
	[tilespmem:$0x18800] =	vst v63  }
0x3a9: {  	_ =	swait.ge [sflag:s26], $0x8000  }
0x3aa: {  	[sflag:s26] =	ssyncset.done $0x0  }
0x3ab: {  	s4 =	simm.s32 $0x8800;
	s31 =	rddreg [dreg:$0xb];
	[sflag:s26] =	ssyncadd.s32 $0xFFFF8000  }
0x3ac: {  	[hbm4b:s31+s3] =	stream.linear.scatter [tilespmem:s4], [sflag:$0x5], $0x8000, $0x38;
	[tilespmem:$0x18800] =	vst v63  }
0x3ad: {  	_ =	swait.ge [sflag:s28], $0x8000  }
0x3ae: {  	[sflag:s28] =	ssyncset.done $0x0  }
0x3af: {  	[sflag:s28] =	ssyncadd.s32 $0xFFFF8000  }
0x3b0: {  	v3 =	vld [tilespmem:$0x500];
	_ =	sdelay $0x4  }
0x3b1: {  	v16 =	vshll.u32 v3, $0x1  }
0x3b2: {  	v3 =	vand.u32 $0x7, v3;
	v4 =	vand.u32 $0xFFFFFFF0, v16  }
0x3b3: {  	v3 =	vor.u32 v3, v4  }
0x3b4: {  	v4 =	vperm.xlane v3, v0;
	_ =	sdelay $0x1  }
0x3b5: {  	v3 =	vperm.xlane v3, v2;
	v4 =	vadd.s32 v1, v4;
	_ =	sdelay $0x1  }
0x3b6: {  	v3 =	vadd.s32 v1, v3;
	_ =	sdelay $0x2  }
0x3b7: {  	[tilespmem:s4], [sflag:$0x2] =	stream.indirect_vreg.gather [hbm4b:s1+s3], $0x80, v4, vm0, $0xb8;
	[tilespmem:$0x18800] =	vst v63  }
0x3b8: {  	_ = 	snop  }
0x3b9: {  	[tilespmem:s29], [sflag:$0x2] =	stream.indirect_vreg.gather [hbm4b:s1+s3], $0x80, v3, vm0, $0xb8;
	[tilespmem:$0x18800] =	vst v63  }
0x3ba: {  	v3 =	vld [tilespmem:$0x510];
	_ =	sdelay $0x4  }
0x3bb: {  	v17 =	vshll.u32 v3, $0x1  }
0x3bc: {  	v3 =	vand.u32 $0x7, v3;
	v4 =	vand.u32 $0xFFFFFFF0, v17  }
0x3bd: {  	v3 =	vor.u32 v3, v4  }
0x3be: {  	v4 =	vperm.xlane v3, v0;
	_ =	sdelay $0x1  }
0x3bf: {  	v3 =	vperm.xlane v3, v2;
	v4 =	vadd.s32 v1, v4;
	_ =	sdelay $0x1  }
0x3c0: {  	v3 =	vadd.s32 v1, v3;
	_ =	sdelay $0x1  }
0x3c1: {  	s4 =	simm.s32 $0x9800  }
0x3c2: {  	[tilespmem:s4], [sflag:$0x2] =	stream.indirect_vreg.gather [hbm4b:s1+s3], $0x80, v4, vm0, $0xb8;
	[tilespmem:$0x18800] =	vst v63  }
0x3c3: {  	_ = 	snop  }
0x3c4: {  	[tilespmem:s23], [sflag:$0x2] =	stream.indirect_vreg.gather [hbm4b:s1+s3], $0x80, v3, vm0, $0xb8;
	[tilespmem:$0x18800] =	vst v63  }
0x3c5: {  	v3 =	vld [tilespmem:$0x520];
	_ =	sdelay $0x4  }
0x3c6: {  	v18 =	vshll.u32 v3, $0x1  }
0x3c7: {  	v3 =	vand.u32 $0x7, v3;
	v4 =	vand.u32 $0xFFFFFFF0, v18  }
0x3c8: {  	v3 =	vor.u32 v3, v4  }
0x3c9: {  	v4 =	vperm.xlane v3, v0;
	_ =	sdelay $0x1  }
0x3ca: {  	v3 =	vperm.xlane v3, v2;
	v4 =	vadd.s32 v1, v4;
	_ =	sdelay $0x1  }
0x3cb: {  	v3 =	vadd.s32 v1, v3;
	_ =	sdelay $0x1  }
0x3cc: {  	s4 =	simm.s32 $0xA800  }
0x3cd: {  	[tilespmem:s4], [sflag:$0x2] =	stream.indirect_vreg.gather [hbm4b:s1+s3], $0x80, v4, vm0, $0xb8;
	[tilespmem:$0x18800] =	vst v63  }
0x3ce: {  	s31 =	simm.s32 $0xB000  }
0x3cf: {  	[tilespmem:s31], [sflag:$0x2] =	stream.indirect_vreg.gather [hbm4b:s1+s3], $0x80, v3, vm0, $0xb8;
	[tilespmem:$0x18800] =	vst v63  }
0x3d0: {  	v3 =	vld [tilespmem:$0x530];
	_ =	sdelay $0x4  }
0x3d1: {  	v19 =	vshll.u32 v3, $0x1  }
0x3d2: {  	v3 =	vand.u32 $0x7, v3;
	v4 =	vand.u32 $0xFFFFFFF0, v19  }
0x3d3: {  	v3 =	vor.u32 v3, v4  }
0x3d4: {  	v4 =	vperm.xlane v3, v0;
	_ =	sdelay $0x1  }
0x3d5: {  	v3 =	vperm.xlane v3, v2;
	v4 =	vadd.s32 v1, v4;
	_ =	sdelay $0x1  }
0x3d6: {  	v3 =	vadd.s32 v1, v3;
	_ =	sdelay $0x1  }
0x3d7: {  	s4 =	simm.s32 $0xB800  }
0x3d8: {  	[tilespmem:s4], [sflag:$0x2] =	stream.indirect_vreg.gather [hbm4b:s1+s3], $0x80, v4, vm0, $0xb8;
	[tilespmem:$0x18800] =	vst v63  }
0x3d9: {  	s31 =	simm.s32 $0xC000  }
0x3da: {  	[tilespmem:s31], [sflag:$0x2] =	stream.indirect_vreg.gather [hbm4b:s1+s3], $0x80, v3, vm0, $0xb8;
	[tilespmem:$0x18800] =	vst v63  }
0x3db: {  	v3 =	vld [tilespmem:$0x540];
	_ =	sdelay $0x4  }
0x3dc: {  	v20 =	vshll.u32 v3, $0x1  }
0x3dd: {  	v3 =	vand.u32 $0x7, v3;
	v4 =	vand.u32 $0xFFFFFFF0, v20  }
0x3de: {  	v3 =	vor.u32 v3, v4  }
0x3df: {  	v4 =	vperm.xlane v3, v0;
	_ =	sdelay $0x1  }
0x3e0: {  	v3 =	vperm.xlane v3, v2;
	v4 =	vadd.s32 v1, v4;
	_ =	sdelay $0x1  }
0x3e1: {  	v3 =	vadd.s32 v1, v3;
	_ =	sdelay $0x1  }
0x3e2: {  	s4 =	simm.s32 $0xC800  }
0x3e3: {  	[tilespmem:s4], [sflag:$0x2] =	stream.indirect_vreg.gather [hbm4b:s1+s3], $0x80, v4, vm0, $0xb8;
	[tilespmem:$0x18800] =	vst v63  }
0x3e4: {  	s31 =	simm.s32 $0xD000  }
0x3e5: {  	[tilespmem:s31], [sflag:$0x2] =	stream.indirect_vreg.gather [hbm4b:s1+s3], $0x80, v3, vm0, $0xb8;
	[tilespmem:$0x18800] =	vst v63  }
0x3e6: {  	v3 =	vld [tilespmem:$0x550];
	_ =	sdelay $0x4  }
0x3e7: {  	v21 =	vshll.u32 v3, $0x1  }
0x3e8: {  	v3 =	vand.u32 $0x7, v3;
	v4 =	vand.u32 $0xFFFFFFF0, v21  }
0x3e9: {  	v3 =	vor.u32 v3, v4  }
0x3ea: {  	v4 =	vperm.xlane v3, v0;
	_ =	sdelay $0x1  }
0x3eb: {  	v3 =	vperm.xlane v3, v2;
	v4 =	vadd.s32 v1, v4;
	_ =	sdelay $0x1  }
0x3ec: {  	v3 =	vadd.s32 v1, v3;
	_ =	sdelay $0x1  }
0x3ed: {  	s4 =	simm.s32 $0xD800  }
0x3ee: {  	[tilespmem:s4], [sflag:$0x2] =	stream.indirect_vreg.gather [hbm4b:s1+s3], $0x80, v4, vm0, $0xb8;
	[tilespmem:$0x18800] =	vst v63  }
0x3ef: {  	s31 =	simm.s32 $0xE000  }
0x3f0: {  	[tilespmem:s31], [sflag:$0x2] =	stream.indirect_vreg.gather [hbm4b:s1+s3], $0x80, v3, vm0, $0xb8;
	[tilespmem:$0x18800] =	vst v63  }
0x3f1: {  	v3 =	vld [tilespmem:$0x560];
	_ =	sdelay $0x4  }
0x3f2: {  	v22 =	vshll.u32 v3, $0x1  }
0x3f3: {  	v3 =	vand.u32 $0x7, v3;
	v4 =	vand.u32 $0xFFFFFFF0, v22  }
0x3f4: {  	v3 =	vor.u32 v3, v4  }
0x3f5: {  	v4 =	vperm.xlane v3, v0;
	_ =	sdelay $0x1  }
0x3f6: {  	v3 =	vperm.xlane v3, v2;
	v4 =	vadd.s32 v1, v4;
	_ =	sdelay $0x1  }
0x3f7: {  	v3 =	vadd.s32 v1, v3;
	_ =	sdelay $0x1  }
0x3f8: {  	s31 =	simm.s32 $0xE800  }
0x3f9: {  	[tilespmem:s31], [sflag:$0x2] =	stream.indirect_vreg.gather [hbm4b:s1+s3], $0x80, v4, vm0, $0xb8;
	[tilespmem:$0x18800] =	vst v63  }
0x3fa: {  	_ = 	snop  }
0x3fb: {  	[tilespmem:s25], [sflag:$0x2] =	stream.indirect_vreg.gather [hbm4b:s1+s3], $0x80, v3, vm0, $0xb8;
	[tilespmem:$0x18800] =	vst v63  }
0x3fc: {  	v3 =	vld [tilespmem:$0x570];
	_ =	sdelay $0x4  }
0x3fd: {  	v23 =	vshll.u32 v3, $0x1  }
0x3fe: {  	v3 =	vand.u32 $0x7, v3;
	v4 =	vand.u32 $0xFFFFFFF0, v23  }
0x3ff: {  	v3 =	vor.u32 v3, v4  }
0x400: {  	v4 =	vperm.xlane v3, v0;
	_ =	sdelay $0x1  }
0x401: {  	v3 =	vperm.xlane v3, v2;
	v4 =	vadd.s32 v1, v4;
	_ =	sdelay $0x1  }
0x402: {  	v3 =	vadd.s32 v1, v3;
	_ =	sdelay $0x1  }
0x403: {  	s31 =	simm.s32 $0xF800  }
0x404: {  	[tilespmem:s31], [sflag:$0x2] =	stream.indirect_vreg.gather [hbm4b:s1+s3], $0x80, v4, vm0, $0xb8;
	[tilespmem:$0x18800] =	vst v63  }
0x405: {  	_ = 	snop  }
0x406: {  	[tilespmem:s11], [sflag:$0x2] =	stream.indirect_vreg.gather [hbm4b:s1+s3], $0x80, v3, vm0, $0xb8;
	[tilespmem:$0x18800] =	vst v63  }
0x407: {  	_ =	swait.ge [sflag:s30], $0x8000  }
0x408: {  	[sflag:s30] =	ssyncset.done $0x0  }
0x409: {  	s0 =	simm.s32 $0x10800;
	s4 =	rddreg [dreg:$0xc];
	[sflag:s30] =	ssyncadd.s32 $0xFFFF8000  }
0x40a: {  	[hbm4b:s4+s3] =	stream.linear.scatter [tilespmem:s0], [sflag:$0x6], $0x8000, $0x38;
	[tilespmem:$0x18800] =	vst v63  }
0x40b: {  	_ =	swait.ge [sflag:s2], $0x8000  }
0x40c: {  	[sflag:s2] =	ssyncset.done $0x0  }
0x40d: {  	[sflag:s2] =	ssyncadd.s32 $0xFFFF8000  }
0x40e: {  	v3 =	vld [tilespmem:$0x580];
	_ =	sdelay $0x4  }
0x40f: {  	v24 =	vshll.u32 v3, $0x1  }
0x410: {  	v3 =	vand.u32 $0x7, v3;
	v4 =	vand.u32 $0xFFFFFFF0, v24  }
0x411: {  	v3 =	vor.u32 v3, v4  }
0x412: {  	v4 =	vperm.xlane v3, v0;
	_ =	sdelay $0x1  }
0x413: {  	v3 =	vperm.xlane v3, v2;
	v4 =	vadd.s32 v1, v4;
	_ =	sdelay $0x1  }
0x414: {  	v3 =	vadd.s32 v1, v3;
	_ =	sdelay $0x2  }
0x415: {  	[tilespmem:s0], [sflag:$0x3] =	stream.indirect_vreg.gather [hbm4b:s1+s3], $0x80, v4, vm0, $0xb8;
	[tilespmem:$0x18800] =	vst v63  }
0x416: {  	_ = 	snop  }
0x417: {  	[tilespmem:s10], [sflag:$0x3] =	stream.indirect_vreg.gather [hbm4b:s1+s3], $0x80, v3, vm0, $0xb8;
	[tilespmem:$0x18800] =	vst v63  }
0x418: {  	v3 =	vld [tilespmem:$0x590];
	_ =	sdelay $0x4  }
0x419: {  	v25 =	vshll.u32 v3, $0x1  }
0x41a: {  	v3 =	vand.u32 $0x7, v3;
	v4 =	vand.u32 $0xFFFFFFF0, v25  }
0x41b: {  	v3 =	vor.u32 v3, v4  }
0x41c: {  	v4 =	vperm.xlane v3, v0;
	_ =	sdelay $0x1  }
0x41d: {  	v3 =	vperm.xlane v3, v2;
	v4 =	vadd.s32 v1, v4;
	_ =	sdelay $0x1  }
0x41e: {  	v3 =	vadd.s32 v1, v3;
	_ =	sdelay $0x1  }
0x41f: {  	s10 =	simm.s32 $0x11800  }
0x420: {  	[tilespmem:s10], [sflag:$0x3] =	stream.indirect_vreg.gather [hbm4b:s1+s3], $0x80, v4, vm0, $0xb8;
	[tilespmem:$0x18800] =	vst v63  }
0x421: {  	_ = 	snop  }
0x422: {  	[tilespmem:s7], [sflag:$0x3] =	stream.indirect_vreg.gather [hbm4b:s1+s3], $0x80, v3, vm0, $0xb8;
	[tilespmem:$0x18800] =	vst v63  }
0x423: {  	v3 =	vld [tilespmem:$0x5A0];
	_ =	sdelay $0x4  }
0x424: {  	v26 =	vshll.u32 v3, $0x1  }
0x425: {  	v3 =	vand.u32 $0x7, v3;
	v4 =	vand.u32 $0xFFFFFFF0, v26  }
0x426: {  	v3 =	vor.u32 v3, v4  }
0x427: {  	v4 =	vperm.xlane v3, v0;
	_ =	sdelay $0x1  }
0x428: {  	v3 =	vperm.xlane v3, v2;
	v4 =	vadd.s32 v1, v4;
	_ =	sdelay $0x1  }
0x429: {  	v3 =	vadd.s32 v1, v3;
	_ =	sdelay $0x1  }
0x42a: {  	s11 =	simm.s32 $0x12800  }
0x42b: {  	[tilespmem:s11], [sflag:$0x3] =	stream.indirect_vreg.gather [hbm4b:s1+s3], $0x80, v4, vm0, $0xb8;
	[tilespmem:$0x18800] =	vst v63  }
0x42c: {  	_ = 	snop  }
0x42d: {  	[tilespmem:s8], [sflag:$0x3] =	stream.indirect_vreg.gather [hbm4b:s1+s3], $0x80, v3, vm0, $0xb8;
	[tilespmem:$0x18800] =	vst v63  }
0x42e: {  	v3 =	vld [tilespmem:$0x5B0];
	_ =	sdelay $0x4  }
0x42f: {  	v27 =	vshll.u32 v3, $0x1  }
0x430: {  	v3 =	vand.u32 $0x7, v3;
	v4 =	vand.u32 $0xFFFFFFF0, v27  }
0x431: {  	v3 =	vor.u32 v3, v4  }
0x432: {  	v4 =	vperm.xlane v3, v0;
	_ =	sdelay $0x1  }
0x433: {  	v3 =	vperm.xlane v3, v2;
	v4 =	vadd.s32 v1, v4;
	_ =	sdelay $0x1  }
0x434: {  	v3 =	vadd.s32 v1, v3;
	_ =	sdelay $0x1  }
0x435: {  	s31 =	simm.s32 $0x13800  }
0x436: {  	[tilespmem:s31], [sflag:$0x3] =	stream.indirect_vreg.gather [hbm4b:s1+s3], $0x80, v4, vm0, $0xb8;
	[tilespmem:$0x18800] =	vst v63  }
0x437: {  	_ = 	snop  }
0x438: {  	[tilespmem:s9], [sflag:$0x3] =	stream.indirect_vreg.gather [hbm4b:s1+s3], $0x80, v3, vm0, $0xb8;
	[tilespmem:$0x18800] =	vst v63  }
0x439: {  	v3 =	vld [tilespmem:$0x5C0];
	_ =	sdelay $0x4  }
0x43a: {  	v28 =	vshll.u32 v3, $0x1  }
0x43b: {  	v3 =	vand.u32 $0x7, v3;
	v4 =	vand.u32 $0xFFFFFFF0, v28  }
0x43c: {  	v3 =	vor.u32 v3, v4  }
0x43d: {  	v4 =	vperm.xlane v3, v0;
	_ =	sdelay $0x1  }
0x43e: {  	v3 =	vperm.xlane v3, v2;
	v4 =	vadd.s32 v1, v4;
	_ =	sdelay $0x1  }
0x43f: {  	v3 =	vadd.s32 v1, v3;
	_ =	sdelay $0x1  }
0x440: {  	s4 =	simm.s32 $0x14800  }
0x441: {  	[tilespmem:s4], [sflag:$0x3] =	stream.indirect_vreg.gather [hbm4b:s1+s3], $0x80, v4, vm0, $0xb8;
	[tilespmem:$0x18800] =	vst v63  }
0x442: {  	s10 =	simm.s32 $0x15000  }
0x443: {  	[tilespmem:s10], [sflag:$0x3] =	stream.indirect_vreg.gather [hbm4b:s1+s3], $0x80, v3, vm0, $0xb8;
	[tilespmem:$0x18800] =	vst v63  }
0x444: {  	v3 =	vld [tilespmem:$0x5D0];
	_ =	sdelay $0x4  }
0x445: {  	v29 =	vshll.u32 v3, $0x1  }
0x446: {  	v3 =	vand.u32 $0x7, v3;
	v4 =	vand.u32 $0xFFFFFFF0, v29  }
0x447: {  	v3 =	vor.u32 v3, v4  }
0x448: {  	v4 =	vperm.xlane v3, v0;
	_ =	sdelay $0x1  }
0x449: {  	v3 =	vperm.xlane v3, v2;
	v4 =	vadd.s32 v1, v4;
	_ =	sdelay $0x1  }
0x44a: {  	v3 =	vadd.s32 v1, v3;
	_ =	sdelay $0x1  }
0x44b: {  	s11 =	simm.s32 $0x15800  }
0x44c: {  	[tilespmem:s11], [sflag:$0x3] =	stream.indirect_vreg.gather [hbm4b:s1+s3], $0x80, v4, vm0, $0xb8;
	[tilespmem:$0x18800] =	vst v63  }
0x44d: {  	s31 =	simm.s32 $0x16000  }
0x44e: {  	[tilespmem:s31], [sflag:$0x3] =	stream.indirect_vreg.gather [hbm4b:s1+s3], $0x80, v3, vm0, $0xb8;
	[tilespmem:$0x18800] =	vst v63  }
0x44f: {  	v3 =	vld [tilespmem:$0x5E0];
	_ =	sdelay $0x4  }
0x450: {  	v30 =	vshll.u32 v3, $0x1  }
0x451: {  	v3 =	vand.u32 $0x7, v3;
	v4 =	vand.u32 $0xFFFFFFF0, v30  }
0x452: {  	v3 =	vor.u32 v3, v4  }
0x453: {  	v4 =	vperm.xlane v3, v0;
	_ =	sdelay $0x1  }
0x454: {  	v3 =	vperm.xlane v3, v2;
	v4 =	vadd.s32 v1, v4;
	_ =	sdelay $0x1  }
0x455: {  	v3 =	vadd.s32 v1, v3;
	_ =	sdelay $0x1  }
0x456: {  	s4 =	simm.s32 $0x16800  }
0x457: {  	[tilespmem:s4], [sflag:$0x3] =	stream.indirect_vreg.gather [hbm4b:s1+s3], $0x80, v4, vm0, $0xb8;
	[tilespmem:$0x18800] =	vst v63  }
0x458: {  	s10 =	simm.s32 $0x17000  }
0x459: {  	[tilespmem:s10], [sflag:$0x3] =	stream.indirect_vreg.gather [hbm4b:s1+s3], $0x80, v3, vm0, $0xb8;
	[tilespmem:$0x18800] =	vst v63  }
0x45a: {  	v3 =	vld [tilespmem:$0x5F0];
	_ =	sdelay $0x4  }
0x45b: {  	v31 =	vshll.u32 v3, $0x1  }
0x45c: {  	v3 =	vand.u32 $0x7, v3;
	v4 =	vand.u32 $0xFFFFFFF0, v31  }
0x45d: {  	v3 =	vor.u32 v3, v4  }
0x45e: {  	v4 =	vperm.xlane v3, v0;
	_ =	sdelay $0x1  }
0x45f: {  	v3 =	vperm.xlane v3, v2;
	v4 =	vadd.s32 v1, v4;
	_ =	sdelay $0x1  }
0x460: {  	v3 =	vadd.s32 v1, v3;
	_ =	sdelay $0x1  }
0x461: {  	s11 =	simm.s32 $0x17800  }
0x462: {  	[tilespmem:s11], [sflag:$0x3] =	stream.indirect_vreg.gather [hbm4b:s1+s3], $0x80, v4, vm0, $0xb8;
	[tilespmem:$0x18800] =	vst v63  }
0x463: {  	s31 =	simm.s32 $0x18000  }
0x464: {  	[tilespmem:s31], [sflag:$0x3] =	stream.indirect_vreg.gather [hbm4b:s1+s3], $0x80, v3, vm0, $0xb8;
	[tilespmem:$0x18800] =	vst v63  }
0x465: {  	_ =	swait.ge [sflag:s6], $0x8000  }
0x466: {  	[sflag:s6] =	ssyncset.done $0x0  }
0x467: {  	s4 =	simm.s32 $0x800;
	s0 =	rddreg [dreg:$0xd];
	[sflag:s6] =	ssyncadd.s32 $0xFFFF8000  }
0x468: {  	[hbm4b:s0+s3] =	stream.linear.scatter [tilespmem:s4], [sflag:$0x4], $0x8000, $0x38;
	[tilespmem:$0x18800] =	vst v63  }
0x469: {  	_ =	swait.ge [sflag:s24], $0x8000  }
0x46a: {  	[sflag:s24] =	ssyncset.done $0x0  }
0x46b: {  	[sflag:s24] =	ssyncadd.s32 $0xFFFF8000  }
0x46c: {  	v3 =	vld [tilespmem:$0x600];
	_ =	sdelay $0x4  }
0x46d: {  	v32 =	vshll.u32 v3, $0x1  }
0x46e: {  	v3 =	vand.u32 $0x7, v3;
	v4 =	vand.u32 $0xFFFFFFF0, v32  }
0x46f: {  	v3 =	vor.u32 v3, v4  }
0x470: {  	v4 =	vperm.xlane v3, v0;
	_ =	sdelay $0x1  }
0x471: {  	v3 =	vperm.xlane v3, v2;
	v4 =	vadd.s32 v1, v4;
	_ =	sdelay $0x1  }
0x472: {  	v3 =	vadd.s32 v1, v3;
	_ =	sdelay $0x2  }
0x473: {  	[tilespmem:s4], [sflag:$0x1] =	stream.indirect_vreg.gather [hbm4b:s1+s3], $0x80, v4, vm0, $0xb8;
	[tilespmem:$0x18800] =	vst v63  }
0x474: {  	_ = 	snop  }
0x475: {  	[tilespmem:s5], [sflag:$0x1] =	stream.indirect_vreg.gather [hbm4b:s1+s3], $0x80, v3, vm0, $0xb8;
	[tilespmem:$0x18800] =	vst v63  }
0x476: {  	v3 =	vld [tilespmem:$0x610];
	_ =	sdelay $0x4  }
0x477: {  	v33 =	vshll.u32 v3, $0x1  }
0x478: {  	v3 =	vand.u32 $0x7, v3;
	v4 =	vand.u32 $0xFFFFFFF0, v33  }
0x479: {  	v3 =	vor.u32 v3, v4  }
0x47a: {  	v4 =	vperm.xlane v3, v0;
	_ =	sdelay $0x1  }
0x47b: {  	v3 =	vperm.xlane v3, v2;
	v4 =	vadd.s32 v1, v4;
	_ =	sdelay $0x1  }
0x47c: {  	v3 =	vadd.s32 v1, v3;
	_ =	sdelay $0x2  }
0x47d: {  	[tilespmem:s16], [sflag:$0x1] =	stream.indirect_vreg.gather [hbm4b:s1+s3], $0x80, v4, vm0, $0xb8;
	[tilespmem:$0x18800] =	vst v63  }
0x47e: {  	_ = 	snop  }
0x47f: {  	[tilespmem:s20], [sflag:$0x1] =	stream.indirect_vreg.gather [hbm4b:s1+s3], $0x80, v3, vm0, $0xb8;
	[tilespmem:$0x18800] =	vst v63  }
0x480: {  	v3 =	vld [tilespmem:$0x620];
	_ =	sdelay $0x4  }
0x481: {  	v34 =	vshll.u32 v3, $0x1  }
0x482: {  	v3 =	vand.u32 $0x7, v3;
	v4 =	vand.u32 $0xFFFFFFF0, v34  }
0x483: {  	v3 =	vor.u32 v3, v4  }
0x484: {  	v4 =	vperm.xlane v3, v0;
	_ =	sdelay $0x1  }
0x485: {  	v3 =	vperm.xlane v3, v2;
	v4 =	vadd.s32 v1, v4;
	_ =	sdelay $0x1  }
0x486: {  	v3 =	vadd.s32 v1, v3;
	_ =	sdelay $0x1  }
0x487: {  	s10 =	simm.s32 $0x2800  }
0x488: {  	[tilespmem:s10], [sflag:$0x1] =	stream.indirect_vreg.gather [hbm4b:s1+s3], $0x80, v4, vm0, $0xb8;
	[tilespmem:$0x18800] =	vst v63  }
0x489: {  	_ = 	snop  }
0x48a: {  	[tilespmem:s21], [sflag:$0x1] =	stream.indirect_vreg.gather [hbm4b:s1+s3], $0x80, v3, vm0, $0xb8;
	[tilespmem:$0x18800] =	vst v63  }
0x48b: {  	v3 =	vld [tilespmem:$0x630];
	_ =	sdelay $0x4  }
0x48c: {  	v35 =	vshll.u32 v3, $0x1  }
0x48d: {  	v3 =	vand.u32 $0x7, v3;
	v4 =	vand.u32 $0xFFFFFFF0, v35  }
0x48e: {  	v3 =	vor.u32 v3, v4  }
0x48f: {  	v4 =	vperm.xlane v3, v0;
	_ =	sdelay $0x1  }
0x490: {  	v3 =	vperm.xlane v3, v2;
	v4 =	vadd.s32 v1, v4;
	_ =	sdelay $0x1  }
0x491: {  	v3 =	vadd.s32 v1, v3;
	_ =	sdelay $0x2  }
0x492: {  	[tilespmem:s12], [sflag:$0x1] =	stream.indirect_vreg.gather [hbm4b:s1+s3], $0x80, v4, vm0, $0xb8;
	[tilespmem:$0x18800] =	vst v63  }
0x493: {  	_ = 	snop  }
0x494: {  	[tilespmem:s22], [sflag:$0x1] =	stream.indirect_vreg.gather [hbm4b:s1+s3], $0x80, v3, vm0, $0xb8;
	[tilespmem:$0x18800] =	vst v63  }
0x495: {  	v3 =	vld [tilespmem:$0x640];
	_ =	sdelay $0x4  }
0x496: {  	v36 =	vshll.u32 v3, $0x1  }
0x497: {  	v3 =	vand.u32 $0x7, v3;
	v4 =	vand.u32 $0xFFFFFFF0, v36  }
0x498: {  	v3 =	vor.u32 v3, v4  }
0x499: {  	v4 =	vperm.xlane v3, v0;
	_ =	sdelay $0x1  }
0x49a: {  	v3 =	vperm.xlane v3, v2;
	v4 =	vadd.s32 v1, v4;
	_ =	sdelay $0x1  }
0x49b: {  	v3 =	vadd.s32 v1, v3;
	_ =	sdelay $0x2  }
0x49c: {  	[tilespmem:s13], [sflag:$0x1] =	stream.indirect_vreg.gather [hbm4b:s1+s3], $0x80, v4, vm0, $0xb8;
	[tilespmem:$0x18800] =	vst v63  }
0x49d: {  	s16 =	simm.s32 $0x5000  }
0x49e: {  	[tilespmem:s16], [sflag:$0x1] =	stream.indirect_vreg.gather [hbm4b:s1+s3], $0x80, v3, vm0, $0xb8;
	[tilespmem:$0x18800] =	vst v63  }
0x49f: {  	v3 =	vld [tilespmem:$0x650];
	_ =	sdelay $0x4  }
0x4a0: {  	v37 =	vshll.u32 v3, $0x1  }
0x4a1: {  	v3 =	vand.u32 $0x7, v3;
	v4 =	vand.u32 $0xFFFFFFF0, v37  }
0x4a2: {  	v3 =	vor.u32 v3, v4  }
0x4a3: {  	v4 =	vperm.xlane v3, v0;
	_ =	sdelay $0x1  }
0x4a4: {  	v3 =	vperm.xlane v3, v2;
	v4 =	vadd.s32 v1, v4;
	_ =	sdelay $0x1  }
0x4a5: {  	v3 =	vadd.s32 v1, v3;
	_ =	sdelay $0x2  }
0x4a6: {  	[tilespmem:s14], [sflag:$0x1] =	stream.indirect_vreg.gather [hbm4b:s1+s3], $0x80, v4, vm0, $0xb8;
	[tilespmem:$0x18800] =	vst v63  }
0x4a7: {  	_ = 	snop  }
0x4a8: {  	[tilespmem:s18], [sflag:$0x1] =	stream.indirect_vreg.gather [hbm4b:s1+s3], $0x80, v3, vm0, $0xb8;
	[tilespmem:$0x18800] =	vst v63  }
0x4a9: {  	v3 =	vld [tilespmem:$0x660];
	_ =	sdelay $0x4  }
0x4aa: {  	v38 =	vshll.u32 v3, $0x1  }
0x4ab: {  	v3 =	vand.u32 $0x7, v3;
	v4 =	vand.u32 $0xFFFFFFF0, v38  }
0x4ac: {  	v3 =	vor.u32 v3, v4  }
0x4ad: {  	v4 =	vperm.xlane v3, v0;
	_ =	sdelay $0x1  }
0x4ae: {  	v3 =	vperm.xlane v3, v2;
	v4 =	vadd.s32 v1, v4;
	_ =	sdelay $0x1  }
0x4af: {  	v3 =	vadd.s32 v1, v3;
	_ =	sdelay $0x2  }
0x4b0: {  	[tilespmem:s15], [sflag:$0x1] =	stream.indirect_vreg.gather [hbm4b:s1+s3], $0x80, v4, vm0, $0xb8;
	[tilespmem:$0x18800] =	vst v63  }
0x4b1: {  	_ = 	snop  }
0x4b2: {  	[tilespmem:s19], [sflag:$0x1] =	stream.indirect_vreg.gather [hbm4b:s1+s3], $0x80, v3, vm0, $0xb8;
	[tilespmem:$0x18800] =	vst v63  }
0x4b3: {  	v3 =	vld [tilespmem:$0x670];
	_ =	sdelay $0x4  }
0x4b4: {  	v39 =	vshll.u32 v3, $0x1  }
0x4b5: {  	v3 =	vand.u32 $0x7, v3;
	v4 =	vand.u32 $0xFFFFFFF0, v39  }
0x4b6: {  	v3 =	vor.u32 v3, v4  }
0x4b7: {  	v4 =	vperm.xlane v3, v0;
	_ =	sdelay $0x1  }
0x4b8: {  	v3 =	vperm.xlane v3, v2;
	v4 =	vadd.s32 v1, v4;
	_ =	sdelay $0x1  }
0x4b9: {  	v3 =	vadd.s32 v1, v3;
	_ =	sdelay $0x2  }
0x4ba: {  	[tilespmem:s17], [sflag:$0x1] =	stream.indirect_vreg.gather [hbm4b:s1+s3], $0x80, v4, vm0, $0xb8;
	[tilespmem:$0x18800] =	vst v63  }
0x4bb: {  	s31 =	simm.s32 $0x8000  }
0x4bc: {  	[tilespmem:s31], [sflag:$0x1] =	stream.indirect_vreg.gather [hbm4b:s1+s3], $0x80, v3, vm0, $0xb8;
	[tilespmem:$0x18800] =	vst v63  }
0x4bd: {  	_ =	swait.ge [sflag:s26], $0x8000  }
0x4be: {  	[sflag:s26] =	ssyncset.done $0x0  }
0x4bf: {  	s10 =	simm.s32 $0x8800;
	s0 =	rddreg [dreg:$0xe];
	[sflag:s26] =	ssyncadd.s32 $0xFFFF8000  }
0x4c0: {  	[hbm4b:s0+s3] =	stream.linear.scatter [tilespmem:s10], [sflag:$0x5], $0x8000, $0x38;
	[tilespmem:$0x18800] =	vst v63  }
0x4c1: {  	_ =	swait.ge [sflag:s28], $0x8000  }
0x4c2: {  	[sflag:s28] =	ssyncset.done $0x0  }
0x4c3: {  	[sflag:s28] =	ssyncadd.s32 $0xFFFF8000  }
0x4c4: {  	v3 =	vld [tilespmem:$0x680];
	_ =	sdelay $0x4  }
0x4c5: {  	v40 =	vshll.u32 v3, $0x1  }
0x4c6: {  	v3 =	vand.u32 $0x7, v3;
	v4 =	vand.u32 $0xFFFFFFF0, v40  }
0x4c7: {  	v3 =	vor.u32 v3, v4  }
0x4c8: {  	v4 =	vperm.xlane v3, v0;
	_ =	sdelay $0x1  }
0x4c9: {  	v3 =	vperm.xlane v3, v2;
	v4 =	vadd.s32 v1, v4;
	_ =	sdelay $0x1  }
0x4ca: {  	v3 =	vadd.s32 v1, v3;
	_ =	sdelay $0x2  }
0x4cb: {  	[tilespmem:s10], [sflag:$0x2] =	stream.indirect_vreg.gather [hbm4b:s1+s3], $0x80, v4, vm0, $0xb8;
	[tilespmem:$0x18800] =	vst v63  }
0x4cc: {  	s29 =	simm.s32 $0x9000  }
0x4cd: {  	[tilespmem:s29], [sflag:$0x2] =	stream.indirect_vreg.gather [hbm4b:s1+s3], $0x80, v3, vm0, $0xb8;
	[tilespmem:$0x18800] =	vst v63  }
0x4ce: {  	v3 =	vld [tilespmem:$0x690];
	_ =	sdelay $0x4  }
0x4cf: {  	v41 =	vshll.u32 v3, $0x1  }
0x4d0: {  	v3 =	vand.u32 $0x7, v3;
	v4 =	vand.u32 $0xFFFFFFF0, v41  }
0x4d1: {  	v3 =	vor.u32 v3, v4  }
0x4d2: {  	v4 =	vperm.xlane v3, v0;
	_ =	sdelay $0x1  }
0x4d3: {  	v3 =	vperm.xlane v3, v2;
	v4 =	vadd.s32 v1, v4;
	_ =	sdelay $0x1  }
0x4d4: {  	v3 =	vadd.s32 v1, v3;
	_ =	sdelay $0x1  }
0x4d5: {  	s31 =	simm.s32 $0x9800  }
0x4d6: {  	[tilespmem:s31], [sflag:$0x2] =	stream.indirect_vreg.gather [hbm4b:s1+s3], $0x80, v4, vm0, $0xb8;
	[tilespmem:$0x18800] =	vst v63  }
0x4d7: {  	s23 =	simm.s32 $0xA000  }
0x4d8: {  	[tilespmem:s23], [sflag:$0x2] =	stream.indirect_vreg.gather [hbm4b:s1+s3], $0x80, v3, vm0, $0xb8;
	[tilespmem:$0x18800] =	vst v63  }
0x4d9: {  	v3 =	vld [tilespmem:$0x6A0];
	_ =	sdelay $0x4  }
0x4da: {  	v42 =	vshll.u32 v3, $0x1  }
0x4db: {  	v3 =	vand.u32 $0x7, v3;
	v4 =	vand.u32 $0xFFFFFFF0, v42  }
0x4dc: {  	v3 =	vor.u32 v3, v4  }
0x4dd: {  	v4 =	vperm.xlane v3, v0;
	_ =	sdelay $0x1  }
0x4de: {  	v3 =	vperm.xlane v3, v2;
	v4 =	vadd.s32 v1, v4;
	_ =	sdelay $0x1  }
0x4df: {  	v3 =	vadd.s32 v1, v3;
	_ =	sdelay $0x1  }
0x4e0: {  	s29 =	simm.s32 $0xA800  }
0x4e1: {  	[tilespmem:s29], [sflag:$0x2] =	stream.indirect_vreg.gather [hbm4b:s1+s3], $0x80, v4, vm0, $0xb8;
	[tilespmem:$0x18800] =	vst v63  }
0x4e2: {  	s31 =	simm.s32 $0xB000  }
0x4e3: {  	[tilespmem:s31], [sflag:$0x2] =	stream.indirect_vreg.gather [hbm4b:s1+s3], $0x80, v3, vm0, $0xb8;
	[tilespmem:$0x18800] =	vst v63  }
0x4e4: {  	v3 =	vld [tilespmem:$0x6B0];
	_ =	sdelay $0x4  }
0x4e5: {  	v43 =	vshll.u32 v3, $0x1  }
0x4e6: {  	v3 =	vand.u32 $0x7, v3;
	v4 =	vand.u32 $0xFFFFFFF0, v43  }
0x4e7: {  	v3 =	vor.u32 v3, v4  }
0x4e8: {  	v4 =	vperm.xlane v3, v0;
	_ =	sdelay $0x1  }
0x4e9: {  	v3 =	vperm.xlane v3, v2;
	v4 =	vadd.s32 v1, v4;
	_ =	sdelay $0x1  }
0x4ea: {  	v3 =	vadd.s32 v1, v3;
	_ =	sdelay $0x1  }
0x4eb: {  	s23 =	simm.s32 $0xB800  }
0x4ec: {  	[tilespmem:s23], [sflag:$0x2] =	stream.indirect_vreg.gather [hbm4b:s1+s3], $0x80, v4, vm0, $0xb8;
	[tilespmem:$0x18800] =	vst v63  }
0x4ed: {  	s29 =	simm.s32 $0xC000  }
0x4ee: {  	[tilespmem:s29], [sflag:$0x2] =	stream.indirect_vreg.gather [hbm4b:s1+s3], $0x80, v3, vm0, $0xb8;
	[tilespmem:$0x18800] =	vst v63  }
0x4ef: {  	v3 =	vld [tilespmem:$0x6C0];
	_ =	sdelay $0x4  }
0x4f0: {  	v44 =	vshll.u32 v3, $0x1  }
0x4f1: {  	v3 =	vand.u32 $0x7, v3;
	v4 =	vand.u32 $0xFFFFFFF0, v44  }
0x4f2: {  	v3 =	vor.u32 v3, v4  }
0x4f3: {  	v4 =	vperm.xlane v3, v0;
	_ =	sdelay $0x1  }
0x4f4: {  	v3 =	vperm.xlane v3, v2;
	v4 =	vadd.s32 v1, v4;
	_ =	sdelay $0x1  }
0x4f5: {  	v3 =	vadd.s32 v1, v3;
	_ =	sdelay $0x1  }
0x4f6: {  	s31 =	simm.s32 $0xC800  }
0x4f7: {  	[tilespmem:s31], [sflag:$0x2] =	stream.indirect_vreg.gather [hbm4b:s1+s3], $0x80, v4, vm0, $0xb8;
	[tilespmem:$0x18800] =	vst v63  }
0x4f8: {  	s23 =	simm.s32 $0xD000  }
0x4f9: {  	[tilespmem:s23], [sflag:$0x2] =	stream.indirect_vreg.gather [hbm4b:s1+s3], $0x80, v3, vm0, $0xb8;
	[tilespmem:$0x18800] =	vst v63  }
0x4fa: {  	v3 =	vld [tilespmem:$0x6D0];
	_ =	sdelay $0x4  }
0x4fb: {  	v45 =	vshll.u32 v3, $0x1  }
0x4fc: {  	v3 =	vand.u32 $0x7, v3;
	v4 =	vand.u32 $0xFFFFFFF0, v45  }
0x4fd: {  	v3 =	vor.u32 v3, v4  }
0x4fe: {  	v4 =	vperm.xlane v3, v0;
	_ =	sdelay $0x1  }
0x4ff: {  	v3 =	vperm.xlane v3, v2;
	v4 =	vadd.s32 v1, v4;
	_ =	sdelay $0x1  }
0x500: {  	v3 =	vadd.s32 v1, v3;
	_ =	sdelay $0x1  }
0x501: {  	s29 =	simm.s32 $0xD800  }
0x502: {  	[tilespmem:s29], [sflag:$0x2] =	stream.indirect_vreg.gather [hbm4b:s1+s3], $0x80, v4, vm0, $0xb8;
	[tilespmem:$0x18800] =	vst v63  }
0x503: {  	s31 =	simm.s32 $0xE000  }
0x504: {  	[tilespmem:s31], [sflag:$0x2] =	stream.indirect_vreg.gather [hbm4b:s1+s3], $0x80, v3, vm0, $0xb8;
	[tilespmem:$0x18800] =	vst v63  }
0x505: {  	v3 =	vld [tilespmem:$0x6E0];
	_ =	sdelay $0x4  }
0x506: {  	v46 =	vshll.u32 v3, $0x1  }
0x507: {  	v3 =	vand.u32 $0x7, v3;
	v4 =	vand.u32 $0xFFFFFFF0, v46  }
0x508: {  	v3 =	vor.u32 v3, v4  }
0x509: {  	v4 =	vperm.xlane v3, v0;
	_ =	sdelay $0x1  }
0x50a: {  	v3 =	vperm.xlane v3, v2;
	v4 =	vadd.s32 v1, v4;
	_ =	sdelay $0x1  }
0x50b: {  	v3 =	vadd.s32 v1, v3;
	_ =	sdelay $0x1  }
0x50c: {  	s23 =	simm.s32 $0xE800  }
0x50d: {  	[tilespmem:s23], [sflag:$0x2] =	stream.indirect_vreg.gather [hbm4b:s1+s3], $0x80, v4, vm0, $0xb8;
	[tilespmem:$0x18800] =	vst v63  }
0x50e: {  	s29 =	simm.s32 $0xF000  }
0x50f: {  	[tilespmem:s29], [sflag:$0x2] =	stream.indirect_vreg.gather [hbm4b:s1+s3], $0x80, v3, vm0, $0xb8;
	[tilespmem:$0x18800] =	vst v63  }
0x510: {  	v3 =	vld [tilespmem:$0x6F0];
	_ =	sdelay $0x4  }
0x511: {  	v47 =	vshll.u32 v3, $0x1  }
0x512: {  	v3 =	vand.u32 $0x7, v3;
	v4 =	vand.u32 $0xFFFFFFF0, v47  }
0x513: {  	v3 =	vor.u32 v3, v4  }
0x514: {  	v4 =	vperm.xlane v3, v0;
	_ =	sdelay $0x1  }
0x515: {  	v3 =	vperm.xlane v3, v2;
	v4 =	vadd.s32 v1, v4;
	_ =	sdelay $0x1  }
0x516: {  	v3 =	vadd.s32 v1, v3;
	_ =	sdelay $0x1  }
0x517: {  	s25 =	simm.s32 $0xF800  }
0x518: {  	[tilespmem:s25], [sflag:$0x2] =	stream.indirect_vreg.gather [hbm4b:s1+s3], $0x80, v4, vm0, $0xb8;
	[tilespmem:$0x18800] =	vst v63  }
0x519: {  	s31 =	simm.s32 $0x10000  }
0x51a: {  	[tilespmem:s31], [sflag:$0x2] =	stream.indirect_vreg.gather [hbm4b:s1+s3], $0x80, v3, vm0, $0xb8;
	[tilespmem:$0x18800] =	vst v63  }
0x51b: {  	_ =	swait.ge [sflag:s30], $0x8000  }
0x51c: {  	[sflag:s30] =	ssyncset.done $0x0  }
0x51d: {  	s25 =	simm.s32 $0x10800;
	s23 =	rddreg [dreg:$0xf];
	[sflag:s30] =	ssyncadd.s32 $0xFFFF8000  }
0x51e: {  	[hbm4b:s23+s3] =	stream.linear.scatter [tilespmem:s25], [sflag:$0x6], $0x8000, $0x38;
	[tilespmem:$0x18800] =	vst v63  }
0x51f: {  	_ =	swait.ge [sflag:s2], $0x8000  }
0x520: {  	[sflag:s2] =	ssyncset.done $0x0  }
0x521: {  	[sflag:s2] =	ssyncadd.s32 $0xFFFF8000  }
0x522: {  	v3 =	vld [tilespmem:$0x700];
	_ =	sdelay $0x4  }
0x523: {  	v48 =	vshll.u32 v3, $0x1  }
0x524: {  	v3 =	vand.u32 $0x7, v3;
	v4 =	vand.u32 $0xFFFFFFF0, v48  }
0x525: {  	v3 =	vor.u32 v3, v4  }
0x526: {  	v4 =	vperm.xlane v3, v0;
	_ =	sdelay $0x1  }
0x527: {  	v3 =	vperm.xlane v3, v2;
	v4 =	vadd.s32 v1, v4;
	_ =	sdelay $0x1  }
0x528: {  	v3 =	vadd.s32 v1, v3;
	_ =	sdelay $0x2  }
0x529: {  	[tilespmem:s25], [sflag:$0x3] =	stream.indirect_vreg.gather [hbm4b:s1+s3], $0x80, v4, vm0, $0xb8;
	[tilespmem:$0x18800] =	vst v63  }
0x52a: {  	s29 =	simm.s32 $0x11000  }
0x52b: {  	[tilespmem:s29], [sflag:$0x3] =	stream.indirect_vreg.gather [hbm4b:s1+s3], $0x80, v3, vm0, $0xb8;
	[tilespmem:$0x18800] =	vst v63  }
0x52c: {  	v3 =	vld [tilespmem:$0x710];
	_ =	sdelay $0x4  }
0x52d: {  	v49 =	vshll.u32 v3, $0x1  }
0x52e: {  	v3 =	vand.u32 $0x7, v3;
	v4 =	vand.u32 $0xFFFFFFF0, v49  }
0x52f: {  	v3 =	vor.u32 v3, v4  }
0x530: {  	v4 =	vperm.xlane v3, v0;
	_ =	sdelay $0x1  }
0x531: {  	v3 =	vperm.xlane v3, v2;
	v4 =	vadd.s32 v1, v4;
	_ =	sdelay $0x1  }
0x532: {  	v3 =	vadd.s32 v1, v3;
	_ =	sdelay $0x1  }
0x533: {  	s31 =	simm.s32 $0x11800  }
0x534: {  	[tilespmem:s31], [sflag:$0x3] =	stream.indirect_vreg.gather [hbm4b:s1+s3], $0x80, v4, vm0, $0xb8;
	[tilespmem:$0x18800] =	vst v63  }
0x535: {  	s7 =	simm.s32 $0x12000  }
0x536: {  	[tilespmem:s7], [sflag:$0x3] =	stream.indirect_vreg.gather [hbm4b:s1+s3], $0x80, v3, vm0, $0xb8;
	[tilespmem:$0x18800] =	vst v63  }
0x537: {  	v3 =	vld [tilespmem:$0x720];
	_ =	sdelay $0x4  }
0x538: {  	v50 =	vshll.u32 v3, $0x1  }
0x539: {  	v3 =	vand.u32 $0x7, v3;
	v4 =	vand.u32 $0xFFFFFFF0, v50  }
0x53a: {  	v3 =	vor.u32 v3, v4  }
0x53b: {  	v4 =	vperm.xlane v3, v0;
	_ =	sdelay $0x1  }
0x53c: {  	v3 =	vperm.xlane v3, v2;
	v4 =	vadd.s32 v1, v4;
	_ =	sdelay $0x1  }
0x53d: {  	v3 =	vadd.s32 v1, v3;
	_ =	sdelay $0x1  }
0x53e: {  	s7 =	simm.s32 $0x12800  }
0x53f: {  	[tilespmem:s7], [sflag:$0x3] =	stream.indirect_vreg.gather [hbm4b:s1+s3], $0x80, v4, vm0, $0xb8;
	[tilespmem:$0x18800] =	vst v63  }
0x540: {  	s8 =	simm.s32 $0x13000  }
0x541: {  	[tilespmem:s8], [sflag:$0x3] =	stream.indirect_vreg.gather [hbm4b:s1+s3], $0x80, v3, vm0, $0xb8;
	[tilespmem:$0x18800] =	vst v63  }
0x542: {  	v3 =	vld [tilespmem:$0x730];
	_ =	sdelay $0x4  }
0x543: {  	v51 =	vshll.u32 v3, $0x1  }
0x544: {  	v3 =	vand.u32 $0x7, v3;
	v4 =	vand.u32 $0xFFFFFFF0, v51  }
0x545: {  	v3 =	vor.u32 v3, v4  }
0x546: {  	v4 =	vperm.xlane v3, v0;
	_ =	sdelay $0x1  }
0x547: {  	v3 =	vperm.xlane v3, v2;
	v4 =	vadd.s32 v1, v4;
	_ =	sdelay $0x1  }
0x548: {  	v3 =	vadd.s32 v1, v3;
	_ =	sdelay $0x1  }
0x549: {  	s8 =	simm.s32 $0x13800  }
0x54a: {  	[tilespmem:s8], [sflag:$0x3] =	stream.indirect_vreg.gather [hbm4b:s1+s3], $0x80, v4, vm0, $0xb8;
	[tilespmem:$0x18800] =	vst v63  }
0x54b: {  	s9 =	simm.s32 $0x14000  }
0x54c: {  	[tilespmem:s9], [sflag:$0x3] =	stream.indirect_vreg.gather [hbm4b:s1+s3], $0x80, v3, vm0, $0xb8;
	[tilespmem:$0x18800] =	vst v63  }
0x54d: {  	v3 =	vld [tilespmem:$0x740];
	_ =	sdelay $0x4  }
0x54e: {  	v52 =	vshll.u32 v3, $0x1  }
0x54f: {  	v3 =	vand.u32 $0x7, v3;
	v4 =	vand.u32 $0xFFFFFFF0, v52  }
0x550: {  	v3 =	vor.u32 v3, v4  }
0x551: {  	v4 =	vperm.xlane v3, v0;
	_ =	sdelay $0x1  }
0x552: {  	v3 =	vperm.xlane v3, v2;
	v4 =	vadd.s32 v1, v4;
	_ =	sdelay $0x1  }
0x553: {  	v3 =	vadd.s32 v1, v3;
	_ =	sdelay $0x1  }
0x554: {  	s25 =	simm.s32 $0x14800  }
0x555: {  	[tilespmem:s25], [sflag:$0x3] =	stream.indirect_vreg.gather [hbm4b:s1+s3], $0x80, v4, vm0, $0xb8;
	[tilespmem:$0x18800] =	vst v63  }
0x556: {  	s29 =	simm.s32 $0x15000  }
0x557: {  	[tilespmem:s29], [sflag:$0x3] =	stream.indirect_vreg.gather [hbm4b:s1+s3], $0x80, v3, vm0, $0xb8;
	[tilespmem:$0x18800] =	vst v63  }
0x558: {  	v3 =	vld [tilespmem:$0x750];
	_ =	sdelay $0x4  }
0x559: {  	v53 =	vshll.u32 v3, $0x1  }
0x55a: {  	v3 =	vand.u32 $0x7, v3;
	v4 =	vand.u32 $0xFFFFFFF0, v53  }
0x55b: {  	v3 =	vor.u32 v3, v4  }
0x55c: {  	v4 =	vperm.xlane v3, v0;
	_ =	sdelay $0x1  }
0x55d: {  	v3 =	vperm.xlane v3, v2;
	v4 =	vadd.s32 v1, v4;
	_ =	sdelay $0x1  }
0x55e: {  	v3 =	vadd.s32 v1, v3;
	_ =	sdelay $0x1  }
0x55f: {  	s31 =	simm.s32 $0x15800  }
0x560: {  	[tilespmem:s31], [sflag:$0x3] =	stream.indirect_vreg.gather [hbm4b:s1+s3], $0x80, v4, vm0, $0xb8;
	[tilespmem:$0x18800] =	vst v63  }
0x561: {  	s8 =	simm.s32 $0x16000  }
0x562: {  	[tilespmem:s8], [sflag:$0x3] =	stream.indirect_vreg.gather [hbm4b:s1+s3], $0x80, v3, vm0, $0xb8;
	[tilespmem:$0x18800] =	vst v63  }
0x563: {  	v3 =	vld [tilespmem:$0x760];
	_ =	sdelay $0x4  }
0x564: {  	v54 =	vshll.u32 v3, $0x1  }
0x565: {  	v3 =	vand.u32 $0x7, v3;
	v4 =	vand.u32 $0xFFFFFFF0, v54  }
0x566: {  	v3 =	vor.u32 v3, v4  }
0x567: {  	v4 =	vperm.xlane v3, v0;
	_ =	sdelay $0x1  }
0x568: {  	v3 =	vperm.xlane v3, v2;
	v4 =	vadd.s32 v1, v4;
	_ =	sdelay $0x1  }
0x569: {  	v3 =	vadd.s32 v1, v3;
	_ =	sdelay $0x1  }
0x56a: {  	s9 =	simm.s32 $0x16800  }
0x56b: {  	[tilespmem:s9], [sflag:$0x3] =	stream.indirect_vreg.gather [hbm4b:s1+s3], $0x80, v4, vm0, $0xb8;
	[tilespmem:$0x18800] =	vst v63  }
0x56c: {  	s25 =	simm.s32 $0x17000  }
0x56d: {  	[tilespmem:s25], [sflag:$0x3] =	stream.indirect_vreg.gather [hbm4b:s1+s3], $0x80, v3, vm0, $0xb8;
	[tilespmem:$0x18800] =	vst v63  }
0x56e: {  	v3 =	vld [tilespmem:$0x770];
	_ =	sdelay $0x4  }
0x56f: {  	v55 =	vshll.u32 v3, $0x1  }
0x570: {  	v3 =	vand.u32 $0x7, v3;
	v4 =	vand.u32 $0xFFFFFFF0, v55  }
0x571: {  	v3 =	vor.u32 v3, v4  }
0x572: {  	v4 =	vperm.xlane v3, v0;
	_ =	sdelay $0x1  }
0x573: {  	v3 =	vperm.xlane v3, v2;
	v4 =	vadd.s32 v1, v4;
	_ =	sdelay $0x1  }
0x574: {  	v3 =	vadd.s32 v1, v3;
	_ =	sdelay $0x1  }
0x575: {  	s29 =	simm.s32 $0x17800  }
0x576: {  	[tilespmem:s29], [sflag:$0x3] =	stream.indirect_vreg.gather [hbm4b:s1+s3], $0x80, v4, vm0, $0xb8;
	[tilespmem:$0x18800] =	vst v63  }
0x577: {  	s31 =	simm.s32 $0x18000  }
0x578: {  	[tilespmem:s31], [sflag:$0x3] =	stream.indirect_vreg.gather [hbm4b:s1+s3], $0x80, v3, vm0, $0xb8;
	[tilespmem:$0x18800] =	vst v63  }
0x579: {  	s0 =	rddreg [dreg:$0x15];
	_ =	swait.ge [sflag:s6], $0x8000  }
0x57a: {  	[sflag:s6] =	ssyncset.done $0x0  }
0x57b: {  	s4 =	simm.s32 $0x800;
	s8 =	rddreg [dreg:$0x10];
	[sflag:s6] =	ssyncadd.s32 $0xFFFF8000  }
0x57c: {  	[hbm4b:s8+s3] =	stream.linear.scatter [tilespmem:s4], [sflag:$0x4], $0x8000, $0x38;
	[tilespmem:$0x18800] =	vst v63  }
0x57d: {  	_ =	swait.ge [sflag:s24], $0x8000  }
0x57e: {  	[sflag:s24] =	ssyncset.done $0x0  }
0x57f: {  	[sflag:s24] =	ssyncadd.s32 $0xFFFF8000  }
0x580: {  	v3 =	vld [tilespmem:$0x780];
	_ =	sdelay $0x4  }
0x581: {  	v56 =	vshll.u32 v3, $0x1  }
0x582: {  	v3 =	vand.u32 $0x7, v3;
	v4 =	vand.u32 $0xFFFFFFF0, v56  }
0x583: {  	v3 =	vor.u32 v3, v4  }
0x584: {  	v4 =	vperm.xlane v3, v0;
	_ =	sdelay $0x1  }
0x585: {  	v3 =	vperm.xlane v3, v2;
	v4 =	vadd.s32 v1, v4;
	_ =	sdelay $0x1  }
0x586: {  	v3 =	vadd.s32 v1, v3;
	_ =	sdelay $0x2  }
0x587: {  	[tilespmem:s4], [sflag:$0x1] =	stream.indirect_vreg.gather [hbm4b:s1+s3], $0x80, v4, vm0, $0xb8;
	[tilespmem:$0x18800] =	vst v63  }
0x588: {  	s9 =	simm.s32 $0x1000  }
0x589: {  	[tilespmem:s9], [sflag:$0x1] =	stream.indirect_vreg.gather [hbm4b:s1+s3], $0x80, v3, vm0, $0xb8;
	[tilespmem:$0x18800] =	vst v63  }
0x58a: {  	v3 =	vld [tilespmem:$0x790];
	_ =	sdelay $0x4  }
0x58b: {  	v57 =	vshll.u32 v3, $0x1  }
0x58c: {  	v3 =	vand.u32 $0x7, v3;
	v4 =	vand.u32 $0xFFFFFFF0, v57  }
0x58d: {  	v3 =	vor.u32 v3, v4  }
0x58e: {  	v4 =	vperm.xlane v3, v0;
	_ =	sdelay $0x1  }
0x58f: {  	v3 =	vperm.xlane v3, v2;
	v4 =	vadd.s32 v1, v4;
	_ =	sdelay $0x1  }
0x590: {  	v3 =	vadd.s32 v1, v3;
	_ =	sdelay $0x1  }
0x591: {  	s11 =	simm.s32 $0x1800  }
0x592: {  	[tilespmem:s11], [sflag:$0x1] =	stream.indirect_vreg.gather [hbm4b:s1+s3], $0x80, v4, vm0, $0xb8;
	[tilespmem:$0x18800] =	vst v63  }
0x593: {  	s20 =	simm.s32 $0x2000  }
0x594: {  	[tilespmem:s20], [sflag:$0x1] =	stream.indirect_vreg.gather [hbm4b:s1+s3], $0x80, v3, vm0, $0xb8;
	[tilespmem:$0x18800] =	vst v63  }
0x595: {  	v3 =	vld [tilespmem:$0x7A0];
	_ =	sdelay $0x4  }
0x596: {  	v58 =	vshll.u32 v3, $0x1  }
0x597: {  	v3 =	vand.u32 $0x7, v3;
	v4 =	vand.u32 $0xFFFFFFF0, v58  }
0x598: {  	v3 =	vor.u32 v3, v4  }
0x599: {  	v4 =	vperm.xlane v3, v0;
	_ =	sdelay $0x1  }
0x59a: {  	v3 =	vperm.xlane v3, v2;
	v4 =	vadd.s32 v1, v4;
	_ =	sdelay $0x1  }
0x59b: {  	v3 =	vadd.s32 v1, v3;
	_ =	sdelay $0x1  }
0x59c: {  	s5 =	simm.s32 $0x2800  }
0x59d: {  	[tilespmem:s5], [sflag:$0x1] =	stream.indirect_vreg.gather [hbm4b:s1+s3], $0x80, v4, vm0, $0xb8;
	[tilespmem:$0x18800] =	vst v63  }
0x59e: {  	s21 =	simm.s32 $0x3000  }
0x59f: {  	[tilespmem:s21], [sflag:$0x1] =	stream.indirect_vreg.gather [hbm4b:s1+s3], $0x80, v3, vm0, $0xb8;
	[tilespmem:$0x18800] =	vst v63  }
0x5a0: {  	v3 =	vld [tilespmem:$0x7B0];
	_ =	sdelay $0x4  }
0x5a1: {  	v59 =	vshll.u32 v3, $0x1  }
0x5a2: {  	v3 =	vand.u32 $0x7, v3;
	v4 =	vand.u32 $0xFFFFFFF0, v59  }
0x5a3: {  	v3 =	vor.u32 v3, v4  }
0x5a4: {  	v4 =	vperm.xlane v3, v0;
	_ =	sdelay $0x1  }
0x5a5: {  	v3 =	vperm.xlane v3, v2;
	v4 =	vadd.s32 v1, v4;
	_ =	sdelay $0x1  }
0x5a6: {  	v3 =	vadd.s32 v1, v3;
	_ =	sdelay $0x1  }
0x5a7: {  	s12 =	simm.s32 $0x3800  }
0x5a8: {  	[tilespmem:s12], [sflag:$0x1] =	stream.indirect_vreg.gather [hbm4b:s1+s3], $0x80, v4, vm0, $0xb8;
	[tilespmem:$0x18800] =	vst v63  }
0x5a9: {  	s22 =	simm.s32 $0x4000  }
0x5aa: {  	[tilespmem:s22], [sflag:$0x1] =	stream.indirect_vreg.gather [hbm4b:s1+s3], $0x80, v3, vm0, $0xb8;
	[tilespmem:$0x18800] =	vst v63  }
0x5ab: {  	v3 =	vld [tilespmem:$0x7C0];
	_ =	sdelay $0x4  }
0x5ac: {  	v60 =	vshll.u32 v3, $0x1  }
0x5ad: {  	v3 =	vand.u32 $0x7, v3;
	v4 =	vand.u32 $0xFFFFFFF0, v60  }
0x5ae: {  	v3 =	vor.u32 v3, v4  }
0x5af: {  	v4 =	vperm.xlane v3, v0;
	_ =	sdelay $0x1  }
0x5b0: {  	v3 =	vperm.xlane v3, v2;
	v4 =	vadd.s32 v1, v4;
	_ =	sdelay $0x1  }
0x5b1: {  	v3 =	vadd.s32 v1, v3;
	_ =	sdelay $0x1  }
0x5b2: {  	s13 =	simm.s32 $0x4800  }
0x5b3: {  	[tilespmem:s13], [sflag:$0x1] =	stream.indirect_vreg.gather [hbm4b:s1+s3], $0x80, v4, vm0, $0xb8;
	[tilespmem:$0x18800] =	vst v63  }
0x5b4: {  	s22 =	simm.s32 $0x5000  }
0x5b5: {  	[tilespmem:s22], [sflag:$0x1] =	stream.indirect_vreg.gather [hbm4b:s1+s3], $0x80, v3, vm0, $0xb8;
	[tilespmem:$0x18800] =	vst v63  }
0x5b6: {  	v3 =	vld [tilespmem:$0x7D0];
	_ =	sdelay $0x4  }
0x5b7: {  	v61 =	vshll.u32 v3, $0x1  }
0x5b8: {  	v3 =	vand.u32 $0x7, v3;
	v4 =	vand.u32 $0xFFFFFFF0, v61  }
0x5b9: {  	v3 =	vor.u32 v3, v4  }
0x5ba: {  	v4 =	vperm.xlane v3, v0;
	_ =	sdelay $0x1  }
0x5bb: {  	v3 =	vperm.xlane v3, v2;
	v4 =	vadd.s32 v1, v4;
	_ =	sdelay $0x1  }
0x5bc: {  	v3 =	vadd.s32 v1, v3;
	_ =	sdelay $0x1  }
0x5bd: {  	s14 =	simm.s32 $0x5800  }
0x5be: {  	[tilespmem:s14], [sflag:$0x1] =	stream.indirect_vreg.gather [hbm4b:s1+s3], $0x80, v4, vm0, $0xb8;
	[tilespmem:$0x18800] =	vst v63  }
0x5bf: {  	s18 =	simm.s32 $0x6000  }
0x5c0: {  	[tilespmem:s18], [sflag:$0x1] =	stream.indirect_vreg.gather [hbm4b:s1+s3], $0x80, v3, vm0, $0xb8;
	[tilespmem:$0x18800] =	vst v63  }
0x5c1: {  	v3 =	vld [tilespmem:$0x7E0];
	_ =	sdelay $0x4  }
0x5c2: {  	v62 =	vshll.u32 v3, $0x1  }
0x5c3: {  	v3 =	vand.u32 $0x7, v3;
	v4 =	vand.u32 $0xFFFFFFF0, v62  }
0x5c4: {  	v3 =	vor.u32 v3, v4  }
0x5c5: {  	v4 =	vperm.xlane v3, v0;
	_ =	sdelay $0x1  }
0x5c6: {  	v3 =	vperm.xlane v3, v2;
	v4 =	vadd.s32 v1, v4;
	_ =	sdelay $0x1  }
0x5c7: {  	v3 =	vadd.s32 v1, v3;
	_ =	sdelay $0x1  }
0x5c8: {  	s15 =	simm.s32 $0x6800  }
0x5c9: {  	[tilespmem:s15], [sflag:$0x1] =	stream.indirect_vreg.gather [hbm4b:s1+s3], $0x80, v4, vm0, $0xb8;
	[tilespmem:$0x18800] =	vst v63  }
0x5ca: {  	s19 =	simm.s32 $0x7000  }
0x5cb: {  	[tilespmem:s19], [sflag:$0x1] =	stream.indirect_vreg.gather [hbm4b:s1+s3], $0x80, v3, vm0, $0xb8;
	[tilespmem:$0x18800] =	vst v63  }
0x5cc: {  	v3 =	vld [tilespmem:$0x7F0];
	_ =	sdelay $0x4  }
0x5cd: {  	v63 =	vshll.u32 v3, $0x1  }
0x5ce: {  	v3 =	vand.u32 $0x7, v3;
	v4 =	vand.u32 $0xFFFFFFF0, v63  }
0x5cf: {  	v3 =	vor.u32 v3, v4  }
0x5d0: {  	v4 =	vperm.xlane v3, v0;
	_ =	sdelay $0x1  }
0x5d1: {  	v3 =	vperm.xlane v3, v2;
	v4 =	vadd.s32 v1, v4;
	_ =	sdelay $0x1  }
0x5d2: {  	v3 =	vadd.s32 v1, v3;
	_ =	sdelay $0x1  }
0x5d3: {  	s16 =	simm.s32 $0x7800  }
0x5d4: {  	[tilespmem:s16], [sflag:$0x1] =	stream.indirect_vreg.gather [hbm4b:s1+s3], $0x80, v4, vm0, $0xb8;
	[tilespmem:$0x18800] =	vst v63  }
0x5d5: {  	s17 =	simm.s32 $0x8000  }
0x5d6: {  	[tilespmem:s17], [sflag:$0x1] =	stream.indirect_vreg.gather [hbm4b:s1+s3], $0x80, v3, vm0, $0xb8;
	[tilespmem:$0x18800] =	vst v63  }
0x5d7: {  	_ =	swait.ge [sflag:s26], $0x8000  }
0x5d8: {  	[sflag:s26] =	ssyncset.done $0x0  }
0x5d9: {  	s10 =	simm.s32 $0x8800;
	s25 =	rddreg [dreg:$0x11];
	[sflag:s26] =	ssyncadd.s32 $0xFFFF8000  }
0x5da: {  	[hbm4b:s25+s3] =	stream.linear.scatter [tilespmem:s10], [sflag:$0x5], $0x8000, $0x38;
	[tilespmem:$0x18800] =	vst v63  }
0x5db: {  	_ =	swait.ge [sflag:s30], $0x8000  }
0x5dc: {  	[sflag:s30] =	ssyncset.done $0x0  }
0x5dd: {  	s23 =	simm.s32 $0x10800;
	s29 =	rddreg [dreg:$0x12];
	[sflag:s30] =	ssyncadd.s32 $0xFFFF8000  }
0x5de: {  	[hbm4b:s29+s3] =	stream.linear.scatter [tilespmem:s23], [sflag:$0x6], $0x8000, $0x38;
	[tilespmem:$0x18800] =	vst v63  }
0x5df: {  	_ =	swait.ge [sflag:s6], $0x8000  }
0x5e0: {  	[sflag:s6] =	ssyncset.done $0x0  }
0x5e1: {  	s30 =	rddreg [dreg:$0x13];
	[sflag:s6] =	ssyncadd.s32 $0xFFFF8000  }
0x5e2: {  	[hbm4b:s30+s3] =	stream.linear.scatter [tilespmem:s4], [sflag:$0x4], $0x8000, $0x38;
	[tilespmem:$0x18800] =	vst v63  }
0x5e3: {  	_ =	swait.ge [sflag:s28], $0x8000  }
0x5e4: {  	[sflag:s28] =	ssyncset.done $0x0  }
0x5e5: {  	[sflag:s28] =	ssyncadd.s32 $0xFFFF8000  }
0x5e6: {  	p0 =	sne.s32 s0, $0x1;
	_ =	swait.ge [sflag:s2], $0x8000  }
.Ltmp0:
0x5e7: {  	[sflag:s2] =	ssyncset.done $0x0;
	(pc) =	sbr.rel @p0 .LBB2_1-.Ltmp0, $4  }
0x5e8: {  	[sflag:s2] =	ssyncadd.s32 $0xFFFF8000  }
0x5e9: {  	_ =	swait.ge [sflag:s24], $0x8000  }
0x5ea: {  	[sflag:s24] =	ssyncset.done $0x0  }
0x5eb: {  	s0 =	sadd.s32 $0xFFFFFFFF, s0;
	[sflag:s24] =	ssyncadd.s32 $0xFFFF8000  }
0x5ec: {  	_ =	sfence.sel $0x180000  }
0x5ed: {  	[bflag:$0x0] =	sbarrier.arrive $0xFFFF  }
0x5ee: {  	_ =	strace $0x90000047  }
0x5ef: {  	s0 =	stileid.u32;
	[bflag:$0x2] =	sbarrier.arrive $0xFFFF  }
0x5f0: {  	p0 =	sne.s32 s0, $0x0;
	s0 =	rddreg [dreg:$0x3]  }
0x5f1: {  	s0 =	sadd.s32 @!p0 $0x100000, s0  }
0x5f2: {  	[sflag:s0] =	ssyncadd.tile.s32 @!p0 $0x1;
	_ =	shalt  }
.Lfunc_end2:
_tile_overlayer_lowered:
.L_overlay_start_2:
0x5f3: {  	(tag) =	ssettag $0x2  }
0x5f4: {  	s0 =	rddreg [dreg:$0x0];
	s2 =	stileid.u32  }
0x5f5: {  	s1 =	rddreg [dreg:$0x1];
	p0 =	sne.s32 s2, $0x0  }
0x5f6: {  	s3 =	rddreg [dreg:$0x2];
	[bflag:$0x3] =	sbarrier.arrive $0xFFFF;
	s2 =	simm.s32 @!p0 $0x1C07  }
0x5f7: {  	[timem:s3], [sflag:s2] =	dma.local @!p0 [hbm:s0], s1  }
0x5f8: {  	s0 =	simm.s32 @!p0 $0x7  }
0x5f9: {  	_ =	swait.ge @!p0 [sflag:s0], s1  }
0x5fa: {  	s1 =	ssub.s32 @!p0 $0x0, s1;
	[sflag:s0] =	ssyncset.done @!p0 $0x0  }
0x5fb: {  	[sflag:s0] =	ssyncadd.s32 @!p0 s1  }
0x5fc: {  	[bflag:$0x3] =	sbarrier.arrive $0xFFFF  }
0x5fd: {  	_ =	shalt  }

</sc_bundles>
